<compile_context>
chip_gen: v7x
topology: tpu7x:2x2x1
jax: 0.10.2.dev20260603
libtpu: 0.0.44.dev20260713+nightly
codegen_flags: <defaults>
</compile_context>

<pallas_src>
import jax
import jax.numpy as jnp
from jax import lax
from jax.experimental import pallas as pl
from jax.experimental.pallas import tpu as pltpu
from jax.experimental.pallas import tpu_sc as plsc

N = 10000
E = 320000
D = 128
NC = 2
NS = 16
NW = NC * NS
CHUNK = 128
EP = E + (-E) % (NW * CHUNK)
ROWS = EP // CHUNK
RPW = ROWS // NW
NPAD = 10112
SLAB = NPAD // NS

_BN = float(1.0 / (1.0 + 1e-5) ** 0.5)


def _mesh():
    return plsc.VectorSubcoreMesh(
        core_axis_name="c", subcore_axis_name="s", num_cores=NC, num_subcores=NS
    )


def _sc_degree(dstI, zrows, onesD):

    def body(dst_h, z_h, ones_h, out_h, acc, didx, ones_v):
        c = lax.axis_index("c")
        s = lax.axis_index("s")
        wid = s * NC + c
        r0 = pl.multiple_of(s * SLAB, 8)
        pltpu.sync_copy(z_h.at[pl.ds(r0, SLAB)], acc.at[pl.ds(r0, SLAB)])
        pltpu.sync_copy(ones_h, ones_v)
        plsc.subcore_barrier()

        def chunk(j, carry):
            pltpu.sync_copy(dst_h.at[wid * RPW + j], didx)
            pltpu.sync_copy(ones_v, acc.at[didx], add=True)
            return carry

        lax.fori_loop(0, RPW, chunk, 0)
        plsc.subcore_barrier()
        pltpu.sync_copy(acc.at[pl.ds(r0, SLAB)], out_h.at[c, pl.ds(r0, SLAB)])

    return pl.kernel(
        body,
        out_type=jax.ShapeDtypeStruct((NC, NPAD, D), jnp.float32),
        mesh=_mesh(),
        scratch_types=[
            pltpu.VMEM_SHARED((NPAD, D), jnp.float32),
            pltpu.VMEM((CHUNK,), jnp.int32),
            pltpu.VMEM((CHUNK, D), jnp.float32),
        ],
    )(dstI, zrows, onesD)


def _sc_aggregate(g, zrows, srcI, dstI):

    def body(g_h, z_h, src_h, dst_h, out_h, acc, sidx, didx, rows, sem):
        c = lax.axis_index("c")
        s = lax.axis_index("s")
        wid = s * NC + c
        r0 = pl.multiple_of(s * SLAB, 8)
        pltpu.sync_copy(z_h.at[pl.ds(r0, SLAB)], acc.at[pl.ds(r0, SLAB)])
        plsc.subcore_barrier()

        def chunk(j, carry):
            row = wid * RPW + j
            pltpu.sync_copy(src_h.at[row], sidx)
            pltpu.sync_copy(dst_h.at[row], didx)
            pltpu.async_copy(g_h.at[sidx], rows, sem).wait()
            pltpu.sync_copy(rows, acc.at[didx], add=True)
            return carry

        lax.fori_loop(0, RPW, chunk, 0)
        plsc.subcore_barrier()
        pltpu.sync_copy(acc.at[pl.ds(r0, SLAB)], out_h.at[c, pl.ds(r0, SLAB)])

    return pl.kernel(
        body,
        out_type=jax.ShapeDtypeStruct((NC, NPAD, D), jnp.float32),
        mesh=_mesh(),
        scratch_types=[
            pltpu.VMEM_SHARED((NPAD, D), jnp.float32),
            pltpu.VMEM((CHUNK,), jnp.int32),
            pltpu.VMEM((CHUNK,), jnp.int32),
            pltpu.VMEM((CHUNK, D), jnp.float32),
            pltpu.SemaphoreType.DMA,
        ],
    )(g, zrows, srcI, dstI)


_B = 1000
_G = N // _B


def _full(shape):
    return pl.BlockSpec(shape, lambda i: tuple(0 for _ in shape))


def _tc_embed(x, deg16, gamma, beta, embW, embb, W0):
    def body(x_r, d_r, ga_r, be_r, ew_r, eb_r, w0_r, h_r, g_r, di_r):
        xb = x_r[...]
        hb = jnp.dot(xb * (ga_r[...] * _BN) + be_r[...], ew_r[...],
                     preferred_element_type=jnp.float32) + eb_r[...]
        dd = d_r[...]
        deg = jnp.sum(dd[0] + dd[1], axis=-1) * jnp.float32(1.0 / D) + 1.0
        dinv = lax.rsqrt(deg)[:, None]
        h_r[...] = hb
        g_r[...] = jnp.dot(hb, w0_r[...],
                           preferred_element_type=jnp.float32) * dinv
        di_r[...] = dinv

    return pl.pallas_call(
        body,
        grid=(_G,),
        in_specs=[
            pl.BlockSpec((_B, D), lambda i: (i, 0)),
            pl.BlockSpec((NC, _B, D), lambda i: (0, i, 0)),
            _full((1, D)), _full((1, D)), _full((D, D)), _full((1, D)),
            _full((D, D)),
        ],
        out_specs=[
            pl.BlockSpec((_B, D), lambda i: (i, 0)),
            pl.BlockSpec((_B, D), lambda i: (i, 0)),
            pl.BlockSpec((_B, 1), lambda i: (i, 0)),
        ],
        out_shape=[
            jax.ShapeDtypeStruct((N, D), jnp.float32),
            jax.ShapeDtypeStruct((N, D), jnp.float32),
            jax.ShapeDtypeStruct((N, 1), jnp.float32),
        ],
    )(x, deg16, gamma, beta, embW, embb, W0)


def _ln(z, g, b):
    mu = jnp.mean(z, axis=-1, keepdims=True)
    zc = z - mu
    var = jnp.mean(zc * zc, axis=-1, keepdims=True)
    return zc * lax.rsqrt(var + 1e-5) * g + b


def _leaky(z):
    return jnp.where(z >= 0, z, 0.1 * z)


def _tc_layer(a, gself, ident, dinv, b, lng, lnb, Wn):
    def body(a_r, gs_r, id_r, di_r, b_r, g_r, be_r, w_r, h_r, go_r):
        a2 = a_r[...]
        dcol = di_r[...]
        z = (a2[0] + a2[1] + gs_r[...]) * dcol + b_r[...]
        z = _leaky(_ln(z, g_r[...], be_r[...]))
        h1 = z + id_r[...]
        h_r[...] = h1
        go_r[...] = jnp.dot(h1, w_r[...],
                            preferred_element_type=jnp.float32) * dcol

    return pl.pallas_call(
        body,
        grid=(_G,),
        in_specs=[
            pl.BlockSpec((NC, _B, D), lambda i: (0, i, 0)),
            pl.BlockSpec((_B, D), lambda i: (i, 0)),
            pl.BlockSpec((_B, D), lambda i: (i, 0)),
            pl.BlockSpec((_B, 1), lambda i: (i, 0)),
            _full((1, D)), _full((1, D)), _full((1, D)), _full((D, D)),
        ],
        out_specs=[
            pl.BlockSpec((_B, D), lambda i: (i, 0)),
            pl.BlockSpec((_B, D), lambda i: (i, 0)),
        ],
        out_shape=[
            jax.ShapeDtypeStruct((N, D), jnp.float32),
            jax.ShapeDtypeStruct((N, D), jnp.float32),
        ],
    )(a, gself, ident, dinv, b, lng, lnb, Wn)


def _tc_final(a, gself, ident, dinv, b, lng, lnb, fc1W, fc1b, fcng, fcnb,
              fc2W, fc2b):
    def body(a_r, gs_r, id_r, di_r, b_r, g_r, be_r, f1w_r, f1b_r, fng_r, fnb_r,
             f2w_r, f2b_r, out_r, acc_r):
        i = pl.program_id(0)
        a2 = a_r[...]
        z = (a2[0] + a2[1] + gs_r[...]) * di_r[...] + b_r[...]
        z = _leaky(_ln(z, g_r[...], be_r[...]))
        h3 = z + id_r[...]
        part = jnp.sum(h3, axis=0, keepdims=True)

        @pl.when(i == 0)
        def _():
            acc_r[...] = part

        @pl.when(i > 0)
        def _():
            acc_r[...] = acc_r[...] + part

        @pl.when(i == _G - 1)
        def _():
            m = acc_r[...] * jnp.float32(1.0 / N)
            t = jnp.dot(m, f1w_r[...],
                        preferred_element_type=jnp.float32) + f1b_r[...]
            t = _leaky(_ln(t, fng_r[...], fnb_r[...]))
            out_r[...] = jnp.dot(t, f2w_r[...],
                                 preferred_element_type=jnp.float32) + f2b_r[...]

    return pl.pallas_call(
        body,
        grid=(_G,),
        in_specs=[
            pl.BlockSpec((NC, _B, D), lambda i: (0, i, 0)),
            pl.BlockSpec((_B, D), lambda i: (i, 0)),
            pl.BlockSpec((_B, D), lambda i: (i, 0)),
            pl.BlockSpec((_B, 1), lambda i: (i, 0)),
            _full((1, D)), _full((1, D)), _full((1, D)),
            _full((D, D)), _full((1, D)), _full((1, D)), _full((1, D)),
            _full((D, D)), _full((1, D)),
        ],
        out_specs=pl.BlockSpec((1, D), lambda i: (0, 0)),
        out_shape=jax.ShapeDtypeStruct((1, D), jnp.float32),
        scratch_shapes=[pltpu.VMEM((1, D), jnp.float32)],
    )(a, gself, ident, dinv, b, lng, lnb, fc1W, fc1b, fcng, fcnb, fc2W, fc2b)


def kernel(x, edge_index, bn_gamma, bn_beta, emb_W, emb_b, W0, b0, W1, b1,
           W2, b2, ln0_g, ln0_b, ln1_g, ln1_b, ln2_g, ln2_b, fc1_W, fc1_b,
           fcn_g, fcn_b, fc2_W, fc2_b):
    pad = EP - E
    srcI = jnp.pad(edge_index[0], (0, pad)).reshape(ROWS, CHUNK)
    dstI = jnp.pad(edge_index[1], (0, pad), constant_values=N).reshape(ROWS, CHUNK)
    onesD = jnp.ones((CHUNK, D), jnp.float32)
    zrows = jnp.zeros((NPAD, D), jnp.float32)
    r = lambda v: v.reshape(1, -1)

    deg16 = _sc_degree(dstI, zrows, onesD)
    h, g, dinv = _tc_embed(x, deg16, r(bn_gamma), r(bn_beta), emb_W,
                           r(emb_b), W0)
    a = _sc_aggregate(g, zrows, srcI, dstI)
    h, g = _tc_layer(a, g, h, dinv, r(b0), r(ln0_g), r(ln0_b), W1)
    a = _sc_aggregate(g, zrows, srcI, dstI)
    h, g = _tc_layer(a, g, h, dinv, r(b1), r(ln1_g), r(ln1_b), W2)
    a = _sc_aggregate(g, zrows, srcI, dstI)
    return _tc_final(a, g, h, dinv, r(b2), r(ln2_g), r(ln2_b), fc1_W, r(fc1_b),
                     r(fcn_g), r(fcn_b), fc2_W, r(fc2_b))

# --- scband reference (transcript-rebuilt; emitter-appended) ---
"""Pipeline reference for scband-robust-topology-aware-gnn-12317966205311 (READ-ONLY COPY).

The authoritative reference and input builder live on the scoring server;
editing this copy changes nothing except your own understanding.
"""

import jax, jax.numpy as jnp
import numpy as np

N = 10000
E = 320000
D = 128
H = 128
OUT = 128


def _kaiming(k, shape, fan_in):
    gain = np.sqrt(2.0 / (1.0 + 0.01 ** 2))
    return jax.random.normal(k, shape, jnp.float32) * (gain / np.sqrt(fan_in))


def setup_inputs(seed: int = 0) -> dict:
    key = jax.random.key(seed)
    ks = jax.random.split(key, 16)
    inp = {}
    inp["x"] = jax.random.normal(ks[0], (N, D), jnp.float32)
    inp["edge_index"] = jax.random.randint(ks[1], (2, E), 0, N, dtype=jnp.int32)
    inp["bn_gamma"] = jnp.ones((D,), jnp.float32)
    inp["bn_beta"] = jnp.zeros((D,), jnp.float32)
    inp["emb_W"] = _kaiming(ks[2], (D, H), D)
    inp["emb_b"] = jnp.zeros((H,), jnp.float32)
    inp["W0"] = _kaiming(ks[3], (H, H), H)
    inp["b0"] = jnp.zeros((H,), jnp.float32)
    inp["W1"] = _kaiming(ks[4], (H, H), H)
    inp["b1"] = jnp.zeros((H,), jnp.float32)
    inp["W2"] = _kaiming(ks[5], (H, H), H)
    inp["b2"] = jnp.zeros((H,), jnp.float32)
    inp["ln0_g"] = jnp.ones((H,), jnp.float32)
    inp["ln0_b"] = jnp.zeros((H,), jnp.float32)
    inp["ln1_g"] = jnp.ones((H,), jnp.float32)
    inp["ln1_b"] = jnp.zeros((H,), jnp.float32)
    inp["ln2_g"] = jnp.ones((H,), jnp.float32)
    inp["ln2_b"] = jnp.zeros((H,), jnp.float32)
    inp["fc1_W"] = _kaiming(ks[6], (H, H), H)
    inp["fc1_b"] = jnp.zeros((H,), jnp.float32)
    inp["fcn_g"] = jnp.ones((H,), jnp.float32)
    inp["fcn_b"] = jnp.zeros((H,), jnp.float32)
    inp["fc2_W"] = _kaiming(ks[7], (H, OUT), H)
    inp["fc2_b"] = jnp.zeros((OUT,), jnp.float32)
    return inp


def _leaky(x):
    return jnp.where(x >= 0, x, 0.1 * x)


def _layer_norm(x, g, b):
    mu = jnp.mean(x, axis=-1, keepdims=True)
    var = jnp.mean((x - mu) ** 2, axis=-1, keepdims=True)
    return (x - mu) / jnp.sqrt(var + 1e-5) * g + b


def _gcn(x, src, dst, W, b, n):
    deg = jnp.zeros((n,), x.dtype).at[dst].add(1.0)
    dinv = jnp.where(deg > 0, 1.0 / jnp.sqrt(deg), 0.0)
    norm = dinv[src] * dinv[dst]
    h = x @ W
    out = jnp.zeros_like(h).at[dst].add(h[src] * norm[:, None])
    return out + b


def reference(x, edge_index, bn_gamma, bn_beta, emb_W, emb_b, W0, b0, W1, b1, W2, b2, ln0_g, ln0_b, ln1_g, ln1_b, ln2_g, ln2_b, fc1_W, fc1_b, fcn_g, fcn_b, fc2_W, fc2_b):
    n = x.shape[0]
    loop = jnp.arange(n, dtype=edge_index.dtype)
    src = jnp.concatenate([edge_index[0], loop])
    dst = jnp.concatenate([edge_index[1], loop])
    # BatchNorm1d in eval mode with default running stats (mean=0, var=1)
    h = x / jnp.sqrt(1.0 + 1e-5) * bn_gamma + bn_beta
    h = h @ emb_W + emb_b
    for W, b, g, be in ((W0, b0, ln0_g, ln0_b), (W1, b1, ln1_g, ln1_b), (W2, b2, ln2_g, ln2_b)):
        ident = h
        z = _gcn(h, src, dst, W, b, n)
        z = _layer_norm(z, g, be)
        z = _leaky(z)
        h = z + ident
    h = jnp.mean(h, axis=0, keepdims=True)
    h = h @ fc1_W + fc1_b
    h = _layer_norm(h, fcn_g, fcn_b)
    h = _leaky(h)
    h = h @ fc2_W + fc2_b
    return h

if __name__ == "__main__":
    import jax
    _d = setup_inputs()
    print(jax.jit(kernel)(*tuple(_d.values())))

</pallas_src>

<mosaic_0001>
#map = affine_map<(d0, d1) -> (0, 0)>
#map1 = affine_map<(d0, d1) -> (0, 0, 0)>
module attributes {stable_mosaic.version = 14 : i64} {
  func.func @body(%arg0: i32, %arg1: i32, %arg2: memref<2528x128xi32, #tpu.memory_space<hbm>>, %arg3: memref<10112x128xf32, #tpu.memory_space<hbm>>, %arg4: memref<128x128xf32, #tpu.memory_space<hbm>>, %arg5: memref<2x10112x128xf32, #tpu.memory_space<hbm>>, %arg6: memref<10112x128xf32, #tpu.memory_space<vmem_shared>>, %arg7: memref<128xi32, #tpu.memory_space<vmem>>, %arg8: memref<128x128xf32, #tpu.memory_space<vmem>>) attributes {dimension_semantics = [#tpu.dimension_semantics<core_parallel>, #tpu.dimension_semantics<subcore_parallel>], iteration_bounds = array<i64: 2, 16>, scalar_prefetch = 0 : i64, scratch_operands = 3 : i64, tpu.core_type = #tpu.core_type<sc_vector_subcore>, window_params = [{transform_indices = #map}, {transform_indices = #map}, {transform_indices = #map}, {transform_indices = #map1}]} {
    %mul3A = arith.constant 2 : i32
    %mul3A_0 = arith.muli %arg1, %mul3A : i32
    %add3A = arith.addi %mul3A_0, %arg0 : i32
    %mul3A_1 = arith.constant 632 : i32
    %mul3A_2 = arith.muli %arg1, %mul3A_1 : i32
    %multiple_of3A = tpu.assume_multiple %mul3A_2, 8 : i32
    "tpu.region"() ({
      %run_scoped3A = tpu.sem_alloc : memref<!tpu.dma_semaphore, #tpu.memory_space<semaphore_mem>>
      %dma_start3A = arith.constant 0 : i32
      %dma_start3A_9 = tpu.memref_slice %arg6[%multiple_of3A, %dma_start3A] : memref<10112x128xf32, #tpu.memory_space<vmem_shared>> -> memref<632x128xf32, #tpu.memory_space<vmem_shared>>
      %dma_start3A_10 = arith.constant 0 : i32
      %dma_start3A_11 = tpu.memref_slice %arg3[%multiple_of3A, %dma_start3A_10] : memref<10112x128xf32, #tpu.memory_space<hbm>> -> memref<632x128xf32, #tpu.memory_space<hbm>>
      tpu.enqueue_dma source(%dma_start3A_11 : memref<632x128xf32, #tpu.memory_space<hbm>>) target(%dma_start3A_9 : memref<632x128xf32, #tpu.memory_space<vmem_shared>>) target_semaphore(%run_scoped3A : memref<!tpu.dma_semaphore, #tpu.memory_space<semaphore_mem>>)
      %dma_wait3A = arith.constant 0 : i32
      %dma_wait3A_12 = tpu.memref_slice %arg6[%multiple_of3A, %dma_wait3A] : memref<10112x128xf32, #tpu.memory_space<vmem_shared>> -> memref<632x128xf32, #tpu.memory_space<vmem_shared>>
      %dma_wait3A_13 = arith.constant 0 : i32
      %dma_wait3A_14 = tpu.memref_slice %arg3[%multiple_of3A, %dma_wait3A_13] : memref<10112x128xf32, #tpu.memory_space<hbm>> -> memref<632x128xf32, #tpu.memory_space<hbm>>
      tpu.wait_dma2 semaphore(%run_scoped3A : memref<!tpu.dma_semaphore, #tpu.memory_space<semaphore_mem>>) src(%dma_wait3A_14 : memref<632x128xf32, #tpu.memory_space<hbm>>) dst(%dma_wait3A_12 : memref<632x128xf32, #tpu.memory_space<vmem_shared>>)
      tpu.yield
    }) : () -> ()
    "tpu.region"() ({
      %run_scoped3A = tpu.sem_alloc : memref<!tpu.dma_semaphore, #tpu.memory_space<semaphore_mem>>
      tpu.enqueue_dma source(%arg4 : memref<128x128xf32, #tpu.memory_space<hbm>>) target(%arg8 : memref<128x128xf32, #tpu.memory_space<vmem>>) target_semaphore(%run_scoped3A : memref<!tpu.dma_semaphore, #tpu.memory_space<semaphore_mem>>)
      tpu.wait_dma2 semaphore(%run_scoped3A : memref<!tpu.dma_semaphore, #tpu.memory_space<semaphore_mem>>) src(%arg4 : memref<128x128xf32, #tpu.memory_space<hbm>>) dst(%arg8 : memref<128x128xf32, #tpu.memory_space<vmem>>)
      tpu.yield
    }) : () -> ()
    %barrier3A = arith.constant 0 : index
    tpu.barrier barrier_id(%barrier3A)
    %scan3A = arith.constant 0 : i32
    %scan3A_3 = arith.constant 0 : i32
    %scan3A_4 = arith.constant 79 : i32
    %scan3A_5 = arith.addi %scan3A_3, %scan3A_4 : i32
    %scan3A_6 = arith.constant 1 : i32
    scf.for %scan3A_9 = %scan3A_3 to %scan3A_5 step %scan3A_6  : i32 {
      %mul3A_10 = arith.constant 79 : i32
      %mul3A_11 = arith.muli %add3A, %mul3A_10 : i32
      %add3A_12 = arith.addi %mul3A_11, %scan3A_9 : i32
      "tpu.region"() ({
        %run_scoped3A = tpu.sem_alloc : memref<!tpu.dma_semaphore, #tpu.memory_space<semaphore_mem>>
        %dma_start3A = arith.constant 0 : i32
        %dma_start3A_13 = tpu.memref_slice %arg2[%add3A_12, %dma_start3A] : memref<2528x128xi32, #tpu.memory_space<hbm>> -> memref<1x128xi32, #tpu.memory_space<hbm>>
        %dma_start3A_14 = tpu.memref_squeeze %dma_start3A_13 : memref<1x128xi32, #tpu.memory_space<hbm>> -> memref<128xi32, #tpu.memory_space<hbm>>
        %dma_start3A_15 = arith.constant 0 : i32
        %dma_start3A_16 = tpu.memref_slice %arg2[%add3A_12, %dma_start3A_15] : memref<2528x128xi32, #tpu.memory_space<hbm>> -> memref<1x128xi32, #tpu.memory_space<hbm>>
        %dma_start3A_17 = tpu.memref_squeeze %dma_start3A_16 : memref<1x128xi32, #tpu.memory_space<hbm>> -> memref<128xi32, #tpu.memory_space<hbm>>
        tpu.enqueue_dma source(%dma_start3A_17 : memref<128xi32, #tpu.memory_space<hbm>>) target(%arg7 : memref<128xi32, #tpu.memory_space<vmem>>) target_semaphore(%run_scoped3A : memref<!tpu.dma_semaphore, #tpu.memory_space<semaphore_mem>>)
        %dma_wait3A = arith.constant 0 : i32
        %dma_wait3A_18 = tpu.memref_slice %arg2[%add3A_12, %dma_wait3A] : memref<2528x128xi32, #tpu.memory_space<hbm>> -> memref<1x128xi32, #tpu.memory_space<hbm>>
        %dma_wait3A_19 = tpu.memref_squeeze %dma_wait3A_18 : memref<1x128xi32, #tpu.memory_space<hbm>> -> memref<128xi32, #tpu.memory_space<hbm>>
        %dma_wait3A_20 = arith.constant 0 : i32
        %dma_wait3A_21 = tpu.memref_slice %arg2[%add3A_12, %dma_wait3A_20] : memref<2528x128xi32, #tpu.memory_space<hbm>> -> memref<1x128xi32, #tpu.memory_space<hbm>>
        %dma_wait3A_22 = tpu.memref_squeeze %dma_wait3A_21 : memref<1x128xi32, #tpu.memory_space<hbm>> -> memref<128xi32, #tpu.memory_space<hbm>>
        tpu.wait_dma2 semaphore(%run_scoped3A : memref<!tpu.dma_semaphore, #tpu.memory_space<semaphore_mem>>) src(%dma_wait3A_22 : memref<128xi32, #tpu.memory_space<hbm>>) dst(%arg7 : memref<128xi32, #tpu.memory_space<vmem>>)
        tpu.yield
      }) : () -> ()
      "tpu.region"() ({
        %run_scoped3A = tpu.sem_alloc : memref<!tpu.dma_semaphore, #tpu.memory_space<semaphore_mem>>
        %dma_start3A = arith.constant 0 : i32
        %dma_start3A_13 = arith.constant 0 : i32
        %dma_start3A_14 = tpu.memref_slice %arg6[%dma_start3A, %dma_start3A_13] : memref<10112x128xf32, #tpu.memory_space<vmem_shared>> -> memref<10112x128xf32, #tpu.memory_space<vmem_shared>>
        tpu.enqueue_indirect_dma source(%arg8 : memref<128x128xf32, #tpu.memory_space<vmem>>) target(%dma_start3A_14 : memref<10112x128xf32, #tpu.memory_space<vmem_shared>>) offsets(%arg7 : memref<128xi32, #tpu.memory_space<vmem>>) semaphore(%run_scoped3A : memref<!tpu.dma_semaphore, #tpu.memory_space<semaphore_mem>>) {add = true}
        %dma_wait3A = arith.constant 0 : i32
        %dma_wait3A_15 = arith.constant 0 : i32
        %dma_wait3A_16 = tpu.memref_slice %arg6[%dma_wait3A, %dma_wait3A_15] : memref<10112x128xf32, #tpu.memory_space<vmem_shared>> -> memref<10112x128xf32, #tpu.memory_space<vmem_shared>>
        tpu.wait_indirect_dma semaphore(%run_scoped3A : memref<!tpu.dma_semaphore, #tpu.memory_space<semaphore_mem>>) src(%arg8 : memref<128x128xf32, #tpu.memory_space<vmem>>) dst(%dma_wait3A_16 : memref<10112x128xf32, #tpu.memory_space<vmem_shared>>)
        tpu.yield
      }) : () -> ()
    }
    %scan3A_7 = arith.constant 79 : i32
    %barrier3A_8 = arith.constant 0 : index
    tpu.barrier barrier_id(%barrier3A_8)
    "tpu.region"() ({
      %run_scoped3A = tpu.sem_alloc : memref<!tpu.dma_semaphore, #tpu.memory_space<semaphore_mem>>
      %dma_start3A = arith.constant 0 : i32
      %dma_start3A_9 = tpu.memref_slice %arg5[%arg0, %multiple_of3A, %dma_start3A] : memref<2x10112x128xf32, #tpu.memory_space<hbm>> -> memref<1x632x128xf32, #tpu.memory_space<hbm>>
      %dma_start3A_10 = tpu.memref_squeeze %dma_start3A_9 : memref<1x632x128xf32, #tpu.memory_space<hbm>> -> memref<632x128xf32, #tpu.memory_space<hbm>>
      %dma_start3A_11 = arith.constant 0 : i32
      %dma_start3A_12 = tpu.memref_slice %arg6[%multiple_of3A, %dma_start3A_11] : memref<10112x128xf32, #tpu.memory_space<vmem_shared>> -> memref<632x128xf32, #tpu.memory_space<vmem_shared>>
      tpu.enqueue_dma source(%dma_start3A_12 : memref<632x128xf32, #tpu.memory_space<vmem_shared>>) target(%dma_start3A_10 : memref<632x128xf32, #tpu.memory_space<hbm>>) target_semaphore(%run_scoped3A : memref<!tpu.dma_semaphore, #tpu.memory_space<semaphore_mem>>)
      %dma_wait3A = arith.constant 0 : i32
      %dma_wait3A_13 = tpu.memref_slice %arg5[%arg0, %multiple_of3A, %dma_wait3A] : memref<2x10112x128xf32, #tpu.memory_space<hbm>> -> memref<1x632x128xf32, #tpu.memory_space<hbm>>
      %dma_wait3A_14 = tpu.memref_squeeze %dma_wait3A_13 : memref<1x632x128xf32, #tpu.memory_space<hbm>> -> memref<632x128xf32, #tpu.memory_space<hbm>>
      %dma_wait3A_15 = arith.constant 0 : i32
      %dma_wait3A_16 = tpu.memref_slice %arg6[%multiple_of3A, %dma_wait3A_15] : memref<10112x128xf32, #tpu.memory_space<vmem_shared>> -> memref<632x128xf32, #tpu.memory_space<vmem_shared>>
      tpu.wait_dma2 semaphore(%run_scoped3A : memref<!tpu.dma_semaphore, #tpu.memory_space<semaphore_mem>>) src(%dma_wait3A_16 : memref<632x128xf32, #tpu.memory_space<vmem_shared>>) dst(%dma_wait3A_14 : memref<632x128xf32, #tpu.memory_space<hbm>>)
      tpu.yield
    }) : () -> ()
    return
  }
}

#map = affine_map<(d0, d1) -> (0, 0)>
#map1 = affine_map<(d0, d1) -> (0, 0, 0)>
module attributes {stable_mosaic.version = 14 : i64} {
  func.func @body(%arg0: i32, %arg1: i32, %arg2: memref<10000x128xf32, #tpu.memory_space<hbm>>, %arg3: memref<10112x128xf32, #tpu.memory_space<hbm>>, %arg4: memref<2528x128xi32, #tpu.memory_space<hbm>>, %arg5: memref<2528x128xi32, #tpu.memory_space<hbm>>, %arg6: memref<2x10112x128xf32, #tpu.memory_space<hbm>>, %arg7: memref<10112x128xf32, #tpu.memory_space<vmem_shared>>, %arg8: memref<128xi32, #tpu.memory_space<vmem>>, %arg9: memref<128xi32, #tpu.memory_space<vmem>>, %arg10: memref<128x128xf32, #tpu.memory_space<vmem>>, %arg11: memref<!tpu.dma_semaphore, #tpu.memory_space<semaphore_mem>>) attributes {dimension_semantics = [#tpu.dimension_semantics<core_parallel>, #tpu.dimension_semantics<subcore_parallel>], iteration_bounds = array<i64: 2, 16>, scalar_prefetch = 0 : i64, scratch_operands = 5 : i64, tpu.core_type = #tpu.core_type<sc_vector_subcore>, window_params = [{transform_indices = #map}, {transform_indices = #map}, {transform_indices = #map}, {transform_indices = #map}, {transform_indices = #map1}]} {
    %mul3A = arith.constant 2 : i32
    %mul3A_0 = arith.muli %arg1, %mul3A : i32
    %add3A = arith.addi %mul3A_0, %arg0 : i32
    %mul3A_1 = arith.constant 632 : i32
    %mul3A_2 = arith.muli %arg1, %mul3A_1 : i32
    %multiple_of3A = tpu.assume_multiple %mul3A_2, 8 : i32
    "tpu.region"() ({
      %run_scoped3A = tpu.sem_alloc : memref<!tpu.dma_semaphore, #tpu.memory_space<semaphore_mem>>
      %dma_start3A = arith.constant 0 : i32
      %dma_start3A_9 = tpu.memref_slice %arg7[%multiple_of3A, %dma_start3A] : memref<10112x128xf32, #tpu.memory_space<vmem_shared>> -> memref<632x128xf32, #tpu.memory_space<vmem_shared>>
      %dma_start3A_10 = arith.constant 0 : i32
      %dma_start3A_11 = tpu.memref_slice %arg3[%multiple_of3A, %dma_start3A_10] : memref<10112x128xf32, #tpu.memory_space<hbm>> -> memref<632x128xf32, #tpu.memory_space<hbm>>
      tpu.enqueue_dma source(%dma_start3A_11 : memref<632x128xf32, #tpu.memory_space<hbm>>) target(%dma_start3A_9 : memref<632x128xf32, #tpu.memory_space<vmem_shared>>) target_semaphore(%run_scoped3A : memref<!tpu.dma_semaphore, #tpu.memory_space<semaphore_mem>>)
      %dma_wait3A = arith.constant 0 : i32
      %dma_wait3A_12 = tpu.memref_slice %arg7[%multiple_of3A, %dma_wait3A] : memref<10112x128xf32, #tpu.memory_space<vmem_shared>> -> memref<632x128xf32, #tpu.memory_space<vmem_shared>>
      %dma_wait3A_13 = arith.constant 0 : i32
      %dma_wait3A_14 = tpu.memref_slice %arg3[%multiple_of3A, %dma_wait3A_13] : memref<10112x128xf32, #tpu.memory_space<hbm>> -> memref<632x128xf32, #tpu.memory_space<hbm>>
      tpu.wait_dma2 semaphore(%run_scoped3A : memref<!tpu.dma_semaphore, #tpu.memory_space<semaphore_mem>>) src(%dma_wait3A_14 : memref<632x128xf32, #tpu.memory_space<hbm>>) dst(%dma_wait3A_12 : memref<632x128xf32, #tpu.memory_space<vmem_shared>>)
      tpu.yield
    }) : () -> ()
    %barrier3A = arith.constant 0 : index
    tpu.barrier barrier_id(%barrier3A)
    %scan3A = arith.constant 0 : i32
    %scan3A_3 = arith.constant 0 : i32
    %scan3A_4 = arith.constant 79 : i32
    %scan3A_5 = arith.addi %scan3A_3, %scan3A_4 : i32
    %scan3A_6 = arith.constant 1 : i32
    scf.for %scan3A_9 = %scan3A_3 to %scan3A_5 step %scan3A_6  : i32 {
      %mul3A_10 = arith.constant 79 : i32
      %mul3A_11 = arith.muli %add3A, %mul3A_10 : i32
      %add3A_12 = arith.addi %mul3A_11, %scan3A_9 : i32
      "tpu.region"() ({
        %run_scoped3A = tpu.sem_alloc : memref<!tpu.dma_semaphore, #tpu.memory_space<semaphore_mem>>
        %dma_start3A_17 = arith.constant 0 : i32
        %dma_start3A_18 = tpu.memref_slice %arg4[%add3A_12, %dma_start3A_17] : memref<2528x128xi32, #tpu.memory_space<hbm>> -> memref<1x128xi32, #tpu.memory_space<hbm>>
        %dma_start3A_19 = tpu.memref_squeeze %dma_start3A_18 : memref<1x128xi32, #tpu.memory_space<hbm>> -> memref<128xi32, #tpu.memory_space<hbm>>
        %dma_start3A_20 = arith.constant 0 : i32
        %dma_start3A_21 = tpu.memref_slice %arg4[%add3A_12, %dma_start3A_20] : memref<2528x128xi32, #tpu.memory_space<hbm>> -> memref<1x128xi32, #tpu.memory_space<hbm>>
        %dma_start3A_22 = tpu.memref_squeeze %dma_start3A_21 : memref<1x128xi32, #tpu.memory_space<hbm>> -> memref<128xi32, #tpu.memory_space<hbm>>
        tpu.enqueue_dma source(%dma_start3A_22 : memref<128xi32, #tpu.memory_space<hbm>>) target(%arg8 : memref<128xi32, #tpu.memory_space<vmem>>) target_semaphore(%run_scoped3A : memref<!tpu.dma_semaphore, #tpu.memory_space<semaphore_mem>>)
        %dma_wait3A_23 = arith.constant 0 : i32
        %dma_wait3A_24 = tpu.memref_slice %arg4[%add3A_12, %dma_wait3A_23] : memref<2528x128xi32, #tpu.memory_space<hbm>> -> memref<1x128xi32, #tpu.memory_space<hbm>>
        %dma_wait3A_25 = tpu.memref_squeeze %dma_wait3A_24 : memref<1x128xi32, #tpu.memory_space<hbm>> -> memref<128xi32, #tpu.memory_space<hbm>>
        %dma_wait3A_26 = arith.constant 0 : i32
        %dma_wait3A_27 = tpu.memref_slice %arg4[%add3A_12, %dma_wait3A_26] : memref<2528x128xi32, #tpu.memory_space<hbm>> -> memref<1x128xi32, #tpu.memory_space<hbm>>
        %dma_wait3A_28 = tpu.memref_squeeze %dma_wait3A_27 : memref<1x128xi32, #tpu.memory_space<hbm>> -> memref<128xi32, #tpu.memory_space<hbm>>
        tpu.wait_dma2 semaphore(%run_scoped3A : memref<!tpu.dma_semaphore, #tpu.memory_space<semaphore_mem>>) src(%dma_wait3A_28 : memref<128xi32, #tpu.memory_space<hbm>>) dst(%arg8 : memref<128xi32, #tpu.memory_space<vmem>>)
        tpu.yield
      }) : () -> ()
      "tpu.region"() ({
        %run_scoped3A = tpu.sem_alloc : memref<!tpu.dma_semaphore, #tpu.memory_space<semaphore_mem>>
        %dma_start3A_17 = arith.constant 0 : i32
        %dma_start3A_18 = tpu.memref_slice %arg5[%add3A_12, %dma_start3A_17] : memref<2528x128xi32, #tpu.memory_space<hbm>> -> memref<1x128xi32, #tpu.memory_space<hbm>>
        %dma_start3A_19 = tpu.memref_squeeze %dma_start3A_18 : memref<1x128xi32, #tpu.memory_space<hbm>> -> memref<128xi32, #tpu.memory_space<hbm>>
        %dma_start3A_20 = arith.constant 0 : i32
        %dma_start3A_21 = tpu.memref_slice %arg5[%add3A_12, %dma_start3A_20] : memref<2528x128xi32, #tpu.memory_space<hbm>> -> memref<1x128xi32, #tpu.memory_space<hbm>>
        %dma_start3A_22 = tpu.memref_squeeze %dma_start3A_21 : memref<1x128xi32, #tpu.memory_space<hbm>> -> memref<128xi32, #tpu.memory_space<hbm>>
        tpu.enqueue_dma source(%dma_start3A_22 : memref<128xi32, #tpu.memory_space<hbm>>) target(%arg9 : memref<128xi32, #tpu.memory_space<vmem>>) target_semaphore(%run_scoped3A : memref<!tpu.dma_semaphore, #tpu.memory_space<semaphore_mem>>)
        %dma_wait3A_23 = arith.constant 0 : i32
        %dma_wait3A_24 = tpu.memref_slice %arg5[%add3A_12, %dma_wait3A_23] : memref<2528x128xi32, #tpu.memory_space<hbm>> -> memref<1x128xi32, #tpu.memory_space<hbm>>
        %dma_wait3A_25 = tpu.memref_squeeze %dma_wait3A_24 : memref<1x128xi32, #tpu.memory_space<hbm>> -> memref<128xi32, #tpu.memory_space<hbm>>
        %dma_wait3A_26 = arith.constant 0 : i32
        %dma_wait3A_27 = tpu.memref_slice %arg5[%add3A_12, %dma_wait3A_26] : memref<2528x128xi32, #tpu.memory_space<hbm>> -> memref<1x128xi32, #tpu.memory_space<hbm>>
        %dma_wait3A_28 = tpu.memref_squeeze %dma_wait3A_27 : memref<1x128xi32, #tpu.memory_space<hbm>> -> memref<128xi32, #tpu.memory_space<hbm>>
        tpu.wait_dma2 semaphore(%run_scoped3A : memref<!tpu.dma_semaphore, #tpu.memory_space<semaphore_mem>>) src(%dma_wait3A_28 : memref<128xi32, #tpu.memory_space<hbm>>) dst(%arg9 : memref<128xi32, #tpu.memory_space<vmem>>)
        tpu.yield
      }) : () -> ()
      %dma_start3A = arith.constant 0 : i32
      %dma_start3A_13 = arith.constant 0 : i32
      %dma_start3A_14 = tpu.memref_slice %arg2[%dma_start3A, %dma_start3A_13] : memref<10000x128xf32, #tpu.memory_space<hbm>> -> memref<10000x128xf32, #tpu.memory_space<hbm>>
      tpu.enqueue_indirect_dma source(%dma_start3A_14 : memref<10000x128xf32, #tpu.memory_space<hbm>>) target(%arg10 : memref<128x128xf32, #tpu.memory_space<vmem>>) offsets(%arg8 : memref<128xi32, #tpu.memory_space<vmem>>) semaphore(%arg11 : memref<!tpu.dma_semaphore, #tpu.memory_space<semaphore_mem>>)
      %dma_wait3A = arith.constant 0 : i32
      %dma_wait3A_15 = arith.constant 0 : i32
      %dma_wait3A_16 = tpu.memref_slice %arg2[%dma_wait3A, %dma_wait3A_15] : memref<10000x128xf32, #tpu.memory_space<hbm>> -> memref<10000x128xf32, #tpu.memory_space<hbm>>
      tpu.wait_indirect_dma semaphore(%arg11 : memref<!tpu.dma_semaphore, #tpu.memory_space<semaphore_mem>>) src(%dma_wait3A_16 : memref<10000x128xf32, #tpu.memory_space<hbm>>) dst(%arg10 : memref<128x128xf32, #tpu.memory_space<vmem>>)
      "tpu.region"() ({
        %run_scoped3A = tpu.sem_alloc : memref<!tpu.dma_semaphore, #tpu.memory_space<semaphore_mem>>
        %dma_start3A_17 = arith.constant 0 : i32
        %dma_start3A_18 = arith.constant 0 : i32
        %dma_start3A_19 = tpu.memref_slice %arg7[%dma_start3A_17, %dma_start3A_18] : memref<10112x128xf32, #tpu.memory_space<vmem_shared>> -> memref<10112x128xf32, #tpu.memory_space<vmem_shared>>
        tpu.enqueue_indirect_dma source(%arg10 : memref<128x128xf32, #tpu.memory_space<vmem>>) target(%dma_start3A_19 : memref<10112x128xf32, #tpu.memory_space<vmem_shared>>) offsets(%arg9 : memref<128xi32, #tpu.memory_space<vmem>>) semaphore(%run_scoped3A : memref<!tpu.dma_semaphore, #tpu.memory_space<semaphore_mem>>) {add = true}
        %dma_wait3A_20 = arith.constant 0 : i32
        %dma_wait3A_21 = arith.constant 0 : i32
        %dma_wait3A_22 = tpu.memref_slice %arg7[%dma_wait3A_20, %dma_wait3A_21] : memref<10112x128xf32, #tpu.memory_space<vmem_shared>> -> memref<10112x128xf32, #tpu.memory_space<vmem_shared>>
        tpu.wait_indirect_dma semaphore(%run_scoped3A : memref<!tpu.dma_semaphore, #tpu.memory_space<semaphore_mem>>) src(%arg10 : memref<128x128xf32, #tpu.memory_space<vmem>>) dst(%dma_wait3A_22 : memref<10112x128xf32, #tpu.memory_space<vmem_shared>>)
        tpu.yield
      }) : () -> ()
    }
    %scan3A_7 = arith.constant 79 : i32
    %barrier3A_8 = arith.constant 0 : index
    tpu.barrier barrier_id(%barrier3A_8)
    "tpu.region"() ({
      %run_scoped3A = tpu.sem_alloc : memref<!tpu.dma_semaphore, #tpu.memory_space<semaphore_mem>>
      %dma_start3A = arith.constant 0 : i32
      %dma_start3A_9 = tpu.memref_slice %arg6[%arg0, %multiple_of3A, %dma_start3A] : memref<2x10112x128xf32, #tpu.memory_space<hbm>> -> memref<1x632x128xf32, #tpu.memory_space<hbm>>
      %dma_start3A_10 = tpu.memref_squeeze %dma_start3A_9 : memref<1x632x128xf32, #tpu.memory_space<hbm>> -> memref<632x128xf32, #tpu.memory_space<hbm>>
      %dma_start3A_11 = arith.constant 0 : i32
      %dma_start3A_12 = tpu.memref_slice %arg7[%multiple_of3A, %dma_start3A_11] : memref<10112x128xf32, #tpu.memory_space<vmem_shared>> -> memref<632x128xf32, #tpu.memory_space<vmem_shared>>
      tpu.enqueue_dma source(%dma_start3A_12 : memref<632x128xf32, #tpu.memory_space<vmem_shared>>) target(%dma_start3A_10 : memref<632x128xf32, #tpu.memory_space<hbm>>) target_semaphore(%run_scoped3A : memref<!tpu.dma_semaphore, #tpu.memory_space<semaphore_mem>>)
      %dma_wait3A = arith.constant 0 : i32
      %dma_wait3A_13 = tpu.memref_slice %arg6[%arg0, %multiple_of3A, %dma_wait3A] : memref<2x10112x128xf32, #tpu.memory_space<hbm>> -> memref<1x632x128xf32, #tpu.memory_space<hbm>>
      %dma_wait3A_14 = tpu.memref_squeeze %dma_wait3A_13 : memref<1x632x128xf32, #tpu.memory_space<hbm>> -> memref<632x128xf32, #tpu.memory_space<hbm>>
      %dma_wait3A_15 = arith.constant 0 : i32
      %dma_wait3A_16 = tpu.memref_slice %arg7[%multiple_of3A, %dma_wait3A_15] : memref<10112x128xf32, #tpu.memory_space<vmem_shared>> -> memref<632x128xf32, #tpu.memory_space<vmem_shared>>
      tpu.wait_dma2 semaphore(%run_scoped3A : memref<!tpu.dma_semaphore, #tpu.memory_space<semaphore_mem>>) src(%dma_wait3A_16 : memref<632x128xf32, #tpu.memory_space<vmem_shared>>) dst(%dma_wait3A_14 : memref<632x128xf32, #tpu.memory_space<hbm>>)
      tpu.yield
    }) : () -> ()
    return
  }
}

#map = affine_map<(d0, d1) -> (0, 0)>
#map1 = affine_map<(d0, d1) -> (0, 0, 0)>
module attributes {stable_mosaic.version = 14 : i64} {
  func.func @body(%arg0: i32, %arg1: i32, %arg2: memref<10000x128xf32, #tpu.memory_space<hbm>>, %arg3: memref<10112x128xf32, #tpu.memory_space<hbm>>, %arg4: memref<2528x128xi32, #tpu.memory_space<hbm>>, %arg5: memref<2528x128xi32, #tpu.memory_space<hbm>>, %arg6: memref<2x10112x128xf32, #tpu.memory_space<hbm>>, %arg7: memref<10112x128xf32, #tpu.memory_space<vmem_shared>>, %arg8: memref<128xi32, #tpu.memory_space<vmem>>, %arg9: memref<128xi32, #tpu.memory_space<vmem>>, %arg10: memref<128x128xf32, #tpu.memory_space<vmem>>, %arg11: memref<!tpu.dma_semaphore, #tpu.memory_space<semaphore_mem>>) attributes {dimension_semantics = [#tpu.dimension_semantics<core_parallel>, #tpu.dimension_semantics<subcore_parallel>], iteration_bounds = array<i64: 2, 16>, scalar_prefetch = 0 : i64, scratch_operands = 5 : i64, tpu.core_type = #tpu.core_type<sc_vector_subcore>, window_params = [{transform_indices = #map}, {transform_indices = #map}, {transform_indices = #map}, {transform_indices = #map}, {transform_indices = #map1}]} {
    %mul3A = arith.constant 2 : i32
    %mul3A_0 = arith.muli %arg1, %mul3A : i32
    %add3A = arith.addi %mul3A_0, %arg0 : i32
    %mul3A_1 = arith.constant 632 : i32
    %mul3A_2 = arith.muli %arg1, %mul3A_1 : i32
    %multiple_of3A = tpu.assume_multiple %mul3A_2, 8 : i32
    "tpu.region"() ({
      %run_scoped3A = tpu.sem_alloc : memref<!tpu.dma_semaphore, #tpu.memory_space<semaphore_mem>>
      %dma_start3A = arith.constant 0 : i32
      %dma_start3A_9 = tpu.memref_slice %arg7[%multiple_of3A, %dma_start3A] : memref<10112x128xf32, #tpu.memory_space<vmem_shared>> -> memref<632x128xf32, #tpu.memory_space<vmem_shared>>
      %dma_start3A_10 = arith.constant 0 : i32
      %dma_start3A_11 = tpu.memref_slice %arg3[%multiple_of3A, %dma_start3A_10] : memref<10112x128xf32, #tpu.memory_space<hbm>> -> memref<632x128xf32, #tpu.memory_space<hbm>>
      tpu.enqueue_dma source(%dma_start3A_11 : memref<632x128xf32, #tpu.memory_space<hbm>>) target(%dma_start3A_9 : memref<632x128xf32, #tpu.memory_space<vmem_shared>>) target_semaphore(%run_scoped3A : memref<!tpu.dma_semaphore, #tpu.memory_space<semaphore_mem>>)
      %dma_wait3A = arith.constant 0 : i32
      %dma_wait3A_12 = tpu.memref_slice %arg7[%multiple_of3A, %dma_wait3A] : memref<10112x128xf32, #tpu.memory_space<vmem_shared>> -> memref<632x128xf32, #tpu.memory_space<vmem_shared>>
      %dma_wait3A_13 = arith.constant 0 : i32
      %dma_wait3A_14 = tpu.memref_slice %arg3[%multiple_of3A, %dma_wait3A_13] : memref<10112x128xf32, #tpu.memory_space<hbm>> -> memref<632x128xf32, #tpu.memory_space<hbm>>
      tpu.wait_dma2 semaphore(%run_scoped3A : memref<!tpu.dma_semaphore, #tpu.memory_space<semaphore_mem>>) src(%dma_wait3A_14 : memref<632x128xf32, #tpu.memory_space<hbm>>) dst(%dma_wait3A_12 : memref<632x128xf32, #tpu.memory_space<vmem_shared>>)
      tpu.yield
    }) : () -> ()
    %barrier3A = arith.constant 0 : index
    tpu.barrier barrier_id(%barrier3A)
    %scan3A = arith.constant 0 : i32
    %scan3A_3 = arith.constant 0 : i32
    %scan3A_4 = arith.constant 79 : i32
    %scan3A_5 = arith.addi %scan3A_3, %scan3A_4 : i32
    %scan3A_6 = arith.constant 1 : i32
    scf.for %scan3A_9 = %scan3A_3 to %scan3A_5 step %scan3A_6  : i32 {
      %mul3A_10 = arith.constant 79 : i32
      %mul3A_11 = arith.muli %add3A, %mul3A_10 : i32
      %add3A_12 = arith.addi %mul3A_11, %scan3A_9 : i32
      "tpu.region"() ({
        %run_scoped3A = tpu.sem_alloc : memref<!tpu.dma_semaphore, #tpu.memory_space<semaphore_mem>>
        %dma_start3A_17 = arith.constant 0 : i32
        %dma_start3A_18 = tpu.memref_slice %arg4[%add3A_12, %dma_start3A_17] : memref<2528x128xi32, #tpu.memory_space<hbm>> -> memref<1x128xi32, #tpu.memory_space<hbm>>
        %dma_start3A_19 = tpu.memref_squeeze %dma_start3A_18 : memref<1x128xi32, #tpu.memory_space<hbm>> -> memref<128xi32, #tpu.memory_space<hbm>>
        %dma_start3A_20 = arith.constant 0 : i32
        %dma_start3A_21 = tpu.memref_slice %arg4[%add3A_12, %dma_start3A_20] : memref<2528x128xi32, #tpu.memory_space<hbm>> -> memref<1x128xi32, #tpu.memory_space<hbm>>
        %dma_start3A_22 = tpu.memref_squeeze %dma_start3A_21 : memref<1x128xi32, #tpu.memory_space<hbm>> -> memref<128xi32, #tpu.memory_space<hbm>>
        tpu.enqueue_dma source(%dma_start3A_22 : memref<128xi32, #tpu.memory_space<hbm>>) target(%arg8 : memref<128xi32, #tpu.memory_space<vmem>>) target_semaphore(%run_scoped3A : memref<!tpu.dma_semaphore, #tpu.memory_space<semaphore_mem>>)
        %dma_wait3A_23 = arith.constant 0 : i32
        %dma_wait3A_24 = tpu.memref_slice %arg4[%add3A_12, %dma_wait3A_23] : memref<2528x128xi32, #tpu.memory_space<hbm>> -> memref<1x128xi32, #tpu.memory_space<hbm>>
        %dma_wait3A_25 = tpu.memref_squeeze %dma_wait3A_24 : memref<1x128xi32, #tpu.memory_space<hbm>> -> memref<128xi32, #tpu.memory_space<hbm>>
        %dma_wait3A_26 = arith.constant 0 : i32
        %dma_wait3A_27 = tpu.memref_slice %arg4[%add3A_12, %dma_wait3A_26] : memref<2528x128xi32, #tpu.memory_space<hbm>> -> memref<1x128xi32, #tpu.memory_space<hbm>>
        %dma_wait3A_28 = tpu.memref_squeeze %dma_wait3A_27 : memref<1x128xi32, #tpu.memory_space<hbm>> -> memref<128xi32, #tpu.memory_space<hbm>>
        tpu.wait_dma2 semaphore(%run_scoped3A : memref<!tpu.dma_semaphore, #tpu.memory_space<semaphore_mem>>) src(%dma_wait3A_28 : memref<128xi32, #tpu.memory_space<hbm>>) dst(%arg8 : memref<128xi32, #tpu.memory_space<vmem>>)
        tpu.yield
      }) : () -> ()
      "tpu.region"() ({
        %run_scoped3A = tpu.sem_alloc : memref<!tpu.dma_semaphore, #tpu.memory_space<semaphore_mem>>
        %dma_start3A_17 = arith.constant 0 : i32
        %dma_start3A_18 = tpu.memref_slice %arg5[%add3A_12, %dma_start3A_17] : memref<2528x128xi32, #tpu.memory_space<hbm>> -> memref<1x128xi32, #tpu.memory_space<hbm>>
        %dma_start3A_19 = tpu.memref_squeeze %dma_start3A_18 : memref<1x128xi32, #tpu.memory_space<hbm>> -> memref<128xi32, #tpu.memory_space<hbm>>
        %dma_start3A_20 = arith.constant 0 : i32
        %dma_start3A_21 = tpu.memref_slice %arg5[%add3A_12, %dma_start3A_20] : memref<2528x128xi32, #tpu.memory_space<hbm>> -> memref<1x128xi32, #tpu.memory_space<hbm>>
        %dma_start3A_22 = tpu.memref_squeeze %dma_start3A_21 : memref<1x128xi32, #tpu.memory_space<hbm>> -> memref<128xi32, #tpu.memory_space<hbm>>
        tpu.enqueue_dma source(%dma_start3A_22 : memref<128xi32, #tpu.memory_space<hbm>>) target(%arg9 : memref<128xi32, #tpu.memory_space<vmem>>) target_semaphore(%run_scoped3A : memref<!tpu.dma_semaphore, #tpu.memory_space<semaphore_mem>>)
        %dma_wait3A_23 = arith.constant 0 : i32
        %dma_wait3A_24 = tpu.memref_slice %arg5[%add3A_12, %dma_wait3A_23] : memref<2528x128xi32, #tpu.memory_space<hbm>> -> memref<1x128xi32, #tpu.memory_space<hbm>>
        %dma_wait3A_25 = tpu.memref_squeeze %dma_wait3A_24 : memref<1x128xi32, #tpu.memory_space<hbm>> -> memref<128xi32, #tpu.memory_space<hbm>>
        %dma_wait3A_26 = arith.constant 0 : i32
        %dma_wait3A_27 = tpu.memref_slice %arg5[%add3A_12, %dma_wait3A_26] : memref<2528x128xi32, #tpu.memory_space<hbm>> -> memref<1x128xi32, #tpu.memory_space<hbm>>
        %dma_wait3A_28 = tpu.memref_squeeze %dma_wait3A_27 : memref<1x128xi32, #tpu.memory_space<hbm>> -> memref<128xi32, #tpu.memory_space<hbm>>
        tpu.wait_dma2 semaphore(%run_scoped3A : memref<!tpu.dma_semaphore, #tpu.memory_space<semaphore_mem>>) src(%dma_wait3A_28 : memref<128xi32, #tpu.memory_space<hbm>>) dst(%arg9 : memref<128xi32, #tpu.memory_space<vmem>>)
        tpu.yield
      }) : () -> ()
      %dma_start3A = arith.constant 0 : i32
      %dma_start3A_13 = arith.constant 0 : i32
      %dma_start3A_14 = tpu.memref_slice %arg2[%dma_start3A, %dma_start3A_13] : memref<10000x128xf32, #tpu.memory_space<hbm>> -> memref<10000x128xf32, #tpu.memory_space<hbm>>
      tpu.enqueue_indirect_dma source(%dma_start3A_14 : memref<10000x128xf32, #tpu.memory_space<hbm>>) target(%arg10 : memref<128x128xf32, #tpu.memory_space<vmem>>) offsets(%arg8 : memref<128xi32, #tpu.memory_space<vmem>>) semaphore(%arg11 : memref<!tpu.dma_semaphore, #tpu.memory_space<semaphore_mem>>)
      %dma_wait3A = arith.constant 0 : i32
      %dma_wait3A_15 = arith.constant 0 : i32
      %dma_wait3A_16 = tpu.memref_slice %arg2[%dma_wait3A, %dma_wait3A_15] : memref<10000x128xf32, #tpu.memory_space<hbm>> -> memref<10000x128xf32, #tpu.memory_space<hbm>>
      tpu.wait_indirect_dma semaphore(%arg11 : memref<!tpu.dma_semaphore, #tpu.memory_space<semaphore_mem>>) src(%dma_wait3A_16 : memref<10000x128xf32, #tpu.memory_space<hbm>>) dst(%arg10 : memref<128x128xf32, #tpu.memory_space<vmem>>)
      "tpu.region"() ({
        %run_scoped3A = tpu.sem_alloc : memref<!tpu.dma_semaphore, #tpu.memory_space<semaphore_mem>>
        %dma_start3A_17 = arith.constant 0 : i32
        %dma_start3A_18 = arith.constant 0 : i32
        %dma_start3A_19 = tpu.memref_slice %arg7[%dma_start3A_17, %dma_start3A_18] : memref<10112x128xf32, #tpu.memory_space<vmem_shared>> -> memref<10112x128xf32, #tpu.memory_space<vmem_shared>>
        tpu.enqueue_indirect_dma source(%arg10 : memref<128x128xf32, #tpu.memory_space<vmem>>) target(%dma_start3A_19 : memref<10112x128xf32, #tpu.memory_space<vmem_shared>>) offsets(%arg9 : memref<128xi32, #tpu.memory_space<vmem>>) semaphore(%run_scoped3A : memref<!tpu.dma_semaphore, #tpu.memory_space<semaphore_mem>>) {add = true}
        %dma_wait3A_20 = arith.constant 0 : i32
        %dma_wait3A_21 = arith.constant 0 : i32
        %dma_wait3A_22 = tpu.memref_slice %arg7[%dma_wait3A_20, %dma_wait3A_21] : memref<10112x128xf32, #tpu.memory_space<vmem_shared>> -> memref<10112x128xf32, #tpu.memory_space<vmem_shared>>
        tpu.wait_indirect_dma semaphore(%run_scoped3A : memref<!tpu.dma_semaphore, #tpu.memory_space<semaphore_mem>>) src(%arg10 : memref<128x128xf32, #tpu.memory_space<vmem>>) dst(%dma_wait3A_22 : memref<10112x128xf32, #tpu.memory_space<vmem_shared>>)
        tpu.yield
      }) : () -> ()
    }
    %scan3A_7 = arith.constant 79 : i32
    %barrier3A_8 = arith.constant 0 : index
    tpu.barrier barrier_id(%barrier3A_8)
    "tpu.region"() ({
      %run_scoped3A = tpu.sem_alloc : memref<!tpu.dma_semaphore, #tpu.memory_space<semaphore_mem>>
      %dma_start3A = arith.constant 0 : i32
      %dma_start3A_9 = tpu.memref_slice %arg6[%arg0, %multiple_of3A, %dma_start3A] : memref<2x10112x128xf32, #tpu.memory_space<hbm>> -> memref<1x632x128xf32, #tpu.memory_space<hbm>>
      %dma_start3A_10 = tpu.memref_squeeze %dma_start3A_9 : memref<1x632x128xf32, #tpu.memory_space<hbm>> -> memref<632x128xf32, #tpu.memory_space<hbm>>
      %dma_start3A_11 = arith.constant 0 : i32
      %dma_start3A_12 = tpu.memref_slice %arg7[%multiple_of3A, %dma_start3A_11] : memref<10112x128xf32, #tpu.memory_space<vmem_shared>> -> memref<632x128xf32, #tpu.memory_space<vmem_shared>>
      tpu.enqueue_dma source(%dma_start3A_12 : memref<632x128xf32, #tpu.memory_space<vmem_shared>>) target(%dma_start3A_10 : memref<632x128xf32, #tpu.memory_space<hbm>>) target_semaphore(%run_scoped3A : memref<!tpu.dma_semaphore, #tpu.memory_space<semaphore_mem>>)
      %dma_wait3A = arith.constant 0 : i32
      %dma_wait3A_13 = tpu.memref_slice %arg6[%arg0, %multiple_of3A, %dma_wait3A] : memref<2x10112x128xf32, #tpu.memory_space<hbm>> -> memref<1x632x128xf32, #tpu.memory_space<hbm>>
      %dma_wait3A_14 = tpu.memref_squeeze %dma_wait3A_13 : memref<1x632x128xf32, #tpu.memory_space<hbm>> -> memref<632x128xf32, #tpu.memory_space<hbm>>
      %dma_wait3A_15 = arith.constant 0 : i32
      %dma_wait3A_16 = tpu.memref_slice %arg7[%multiple_of3A, %dma_wait3A_15] : memref<10112x128xf32, #tpu.memory_space<vmem_shared>> -> memref<632x128xf32, #tpu.memory_space<vmem_shared>>
      tpu.wait_dma2 semaphore(%run_scoped3A : memref<!tpu.dma_semaphore, #tpu.memory_space<semaphore_mem>>) src(%dma_wait3A_16 : memref<632x128xf32, #tpu.memory_space<vmem_shared>>) dst(%dma_wait3A_14 : memref<632x128xf32, #tpu.memory_space<hbm>>)
      tpu.yield
    }) : () -> ()
    return
  }
}

#map = affine_map<(d0, d1) -> (0, 0)>
#map1 = affine_map<(d0, d1) -> (0, 0, 0)>
module attributes {stable_mosaic.version = 14 : i64} {
  func.func @body(%arg0: i32, %arg1: i32, %arg2: memref<10000x128xf32, #tpu.memory_space<hbm>>, %arg3: memref<10112x128xf32, #tpu.memory_space<hbm>>, %arg4: memref<2528x128xi32, #tpu.memory_space<hbm>>, %arg5: memref<2528x128xi32, #tpu.memory_space<hbm>>, %arg6: memref<2x10112x128xf32, #tpu.memory_space<hbm>>, %arg7: memref<10112x128xf32, #tpu.memory_space<vmem_shared>>, %arg8: memref<128xi32, #tpu.memory_space<vmem>>, %arg9: memref<128xi32, #tpu.memory_space<vmem>>, %arg10: memref<128x128xf32, #tpu.memory_space<vmem>>, %arg11: memref<!tpu.dma_semaphore, #tpu.memory_space<semaphore_mem>>) attributes {dimension_semantics = [#tpu.dimension_semantics<core_parallel>, #tpu.dimension_semantics<subcore_parallel>], iteration_bounds = array<i64: 2, 16>, scalar_prefetch = 0 : i64, scratch_operands = 5 : i64, tpu.core_type = #tpu.core_type<sc_vector_subcore>, window_params = [{transform_indices = #map}, {transform_indices = #map}, {transform_indices = #map}, {transform_indices = #map}, {transform_indices = #map1}]} {
    %mul3A = arith.constant 2 : i32
    %mul3A_0 = arith.muli %arg1, %mul3A : i32
    %add3A = arith.addi %mul3A_0, %arg0 : i32
    %mul3A_1 = arith.constant 632 : i32
    %mul3A_2 = arith.muli %arg1, %mul3A_1 : i32
    %multiple_of3A = tpu.assume_multiple %mul3A_2, 8 : i32
    "tpu.region"() ({
      %run_scoped3A = tpu.sem_alloc : memref<!tpu.dma_semaphore, #tpu.memory_space<semaphore_mem>>
      %dma_start3A = arith.constant 0 : i32
      %dma_start3A_9 = tpu.memref_slice %arg7[%multiple_of3A, %dma_start3A] : memref<10112x128xf32, #tpu.memory_space<vmem_shared>> -> memref<632x128xf32, #tpu.memory_space<vmem_shared>>
      %dma_start3A_10 = arith.constant 0 : i32
      %dma_start3A_11 = tpu.memref_slice %arg3[%multiple_of3A, %dma_start3A_10] : memref<10112x128xf32, #tpu.memory_space<hbm>> -> memref<632x128xf32, #tpu.memory_space<hbm>>
      tpu.enqueue_dma source(%dma_start3A_11 : memref<632x128xf32, #tpu.memory_space<hbm>>) target(%dma_start3A_9 : memref<632x128xf32, #tpu.memory_space<vmem_shared>>) target_semaphore(%run_scoped3A : memref<!tpu.dma_semaphore, #tpu.memory_space<semaphore_mem>>)
      %dma_wait3A = arith.constant 0 : i32
      %dma_wait3A_12 = tpu.memref_slice %arg7[%multiple_of3A, %dma_wait3A] : memref<10112x128xf32, #tpu.memory_space<vmem_shared>> -> memref<632x128xf32, #tpu.memory_space<vmem_shared>>
      %dma_wait3A_13 = arith.constant 0 : i32
      %dma_wait3A_14 = tpu.memref_slice %arg3[%multiple_of3A, %dma_wait3A_13] : memref<10112x128xf32, #tpu.memory_space<hbm>> -> memref<632x128xf32, #tpu.memory_space<hbm>>
      tpu.wait_dma2 semaphore(%run_scoped3A : memref<!tpu.dma_semaphore, #tpu.memory_space<semaphore_mem>>) src(%dma_wait3A_14 : memref<632x128xf32, #tpu.memory_space<hbm>>) dst(%dma_wait3A_12 : memref<632x128xf32, #tpu.memory_space<vmem_shared>>)
      tpu.yield
    }) : () -> ()
    %barrier3A = arith.constant 0 : index
    tpu.barrier barrier_id(%barrier3A)
    %scan3A = arith.constant 0 : i32
    %scan3A_3 = arith.constant 0 : i32
    %scan3A_4 = arith.constant 79 : i32
    %scan3A_5 = arith.addi %scan3A_3, %scan3A_4 : i32
    %scan3A_6 = arith.constant 1 : i32
    scf.for %scan3A_9 = %scan3A_3 to %scan3A_5 step %scan3A_6  : i32 {
      %mul3A_10 = arith.constant 79 : i32
      %mul3A_11 = arith.muli %add3A, %mul3A_10 : i32
      %add3A_12 = arith.addi %mul3A_11, %scan3A_9 : i32
      "tpu.region"() ({
        %run_scoped3A = tpu.sem_alloc : memref<!tpu.dma_semaphore, #tpu.memory_space<semaphore_mem>>
        %dma_start3A_17 = arith.constant 0 : i32
        %dma_start3A_18 = tpu.memref_slice %arg4[%add3A_12, %dma_start3A_17] : memref<2528x128xi32, #tpu.memory_space<hbm>> -> memref<1x128xi32, #tpu.memory_space<hbm>>
        %dma_start3A_19 = tpu.memref_squeeze %dma_start3A_18 : memref<1x128xi32, #tpu.memory_space<hbm>> -> memref<128xi32, #tpu.memory_space<hbm>>
        %dma_start3A_20 = arith.constant 0 : i32
        %dma_start3A_21 = tpu.memref_slice %arg4[%add3A_12, %dma_start3A_20] : memref<2528x128xi32, #tpu.memory_space<hbm>> -> memref<1x128xi32, #tpu.memory_space<hbm>>
        %dma_start3A_22 = tpu.memref_squeeze %dma_start3A_21 : memref<1x128xi32, #tpu.memory_space<hbm>> -> memref<128xi32, #tpu.memory_space<hbm>>
        tpu.enqueue_dma source(%dma_start3A_22 : memref<128xi32, #tpu.memory_space<hbm>>) target(%arg8 : memref<128xi32, #tpu.memory_space<vmem>>) target_semaphore(%run_scoped3A : memref<!tpu.dma_semaphore, #tpu.memory_space<semaphore_mem>>)
        %dma_wait3A_23 = arith.constant 0 : i32
        %dma_wait3A_24 = tpu.memref_slice %arg4[%add3A_12, %dma_wait3A_23] : memref<2528x128xi32, #tpu.memory_space<hbm>> -> memref<1x128xi32, #tpu.memory_space<hbm>>
        %dma_wait3A_25 = tpu.memref_squeeze %dma_wait3A_24 : memref<1x128xi32, #tpu.memory_space<hbm>> -> memref<128xi32, #tpu.memory_space<hbm>>
        %dma_wait3A_26 = arith.constant 0 : i32
        %dma_wait3A_27 = tpu.memref_slice %arg4[%add3A_12, %dma_wait3A_26] : memref<2528x128xi32, #tpu.memory_space<hbm>> -> memref<1x128xi32, #tpu.memory_space<hbm>>
        %dma_wait3A_28 = tpu.memref_squeeze %dma_wait3A_27 : memref<1x128xi32, #tpu.memory_space<hbm>> -> memref<128xi32, #tpu.memory_space<hbm>>
        tpu.wait_dma2 semaphore(%run_scoped3A : memref<!tpu.dma_semaphore, #tpu.memory_space<semaphore_mem>>) src(%dma_wait3A_28 : memref<128xi32, #tpu.memory_space<hbm>>) dst(%arg8 : memref<128xi32, #tpu.memory_space<vmem>>)
        tpu.yield
      }) : () -> ()
      "tpu.region"() ({
        %run_scoped3A = tpu.sem_alloc : memref<!tpu.dma_semaphore, #tpu.memory_space<semaphore_mem>>
        %dma_start3A_17 = arith.constant 0 : i32
        %dma_start3A_18 = tpu.memref_slice %arg5[%add3A_12, %dma_start3A_17] : memref<2528x128xi32, #tpu.memory_space<hbm>> -> memref<1x128xi32, #tpu.memory_space<hbm>>
        %dma_start3A_19 = tpu.memref_squeeze %dma_start3A_18 : memref<1x128xi32, #tpu.memory_space<hbm>> -> memref<128xi32, #tpu.memory_space<hbm>>
        %dma_start3A_20 = arith.constant 0 : i32
        %dma_start3A_21 = tpu.memref_slice %arg5[%add3A_12, %dma_start3A_20] : memref<2528x128xi32, #tpu.memory_space<hbm>> -> memref<1x128xi32, #tpu.memory_space<hbm>>
        %dma_start3A_22 = tpu.memref_squeeze %dma_start3A_21 : memref<1x128xi32, #tpu.memory_space<hbm>> -> memref<128xi32, #tpu.memory_space<hbm>>
        tpu.enqueue_dma source(%dma_start3A_22 : memref<128xi32, #tpu.memory_space<hbm>>) target(%arg9 : memref<128xi32, #tpu.memory_space<vmem>>) target_semaphore(%run_scoped3A : memref<!tpu.dma_semaphore, #tpu.memory_space<semaphore_mem>>)
        %dma_wait3A_23 = arith.constant 0 : i32
        %dma_wait3A_24 = tpu.memref_slice %arg5[%add3A_12, %dma_wait3A_23] : memref<2528x128xi32, #tpu.memory_space<hbm>> -> memref<1x128xi32, #tpu.memory_space<hbm>>
        %dma_wait3A_25 = tpu.memref_squeeze %dma_wait3A_24 : memref<1x128xi32, #tpu.memory_space<hbm>> -> memref<128xi32, #tpu.memory_space<hbm>>
        %dma_wait3A_26 = arith.constant 0 : i32
        %dma_wait3A_27 = tpu.memref_slice %arg5[%add3A_12, %dma_wait3A_26] : memref<2528x128xi32, #tpu.memory_space<hbm>> -> memref<1x128xi32, #tpu.memory_space<hbm>>
        %dma_wait3A_28 = tpu.memref_squeeze %dma_wait3A_27 : memref<1x128xi32, #tpu.memory_space<hbm>> -> memref<128xi32, #tpu.memory_space<hbm>>
        tpu.wait_dma2 semaphore(%run_scoped3A : memref<!tpu.dma_semaphore, #tpu.memory_space<semaphore_mem>>) src(%dma_wait3A_28 : memref<128xi32, #tpu.memory_space<hbm>>) dst(%arg9 : memref<128xi32, #tpu.memory_space<vmem>>)
        tpu.yield
      }) : () -> ()
      %dma_start3A = arith.constant 0 : i32
      %dma_start3A_13 = arith.constant 0 : i32
      %dma_start3A_14 = tpu.memref_slice %arg2[%dma_start3A, %dma_start3A_13] : memref<10000x128xf32, #tpu.memory_space<hbm>> -> memref<10000x128xf32, #tpu.memory_space<hbm>>
      tpu.enqueue_indirect_dma source(%dma_start3A_14 : memref<10000x128xf32, #tpu.memory_space<hbm>>) target(%arg10 : memref<128x128xf32, #tpu.memory_space<vmem>>) offsets(%arg8 : memref<128xi32, #tpu.memory_space<vmem>>) semaphore(%arg11 : memref<!tpu.dma_semaphore, #tpu.memory_space<semaphore_mem>>)
      %dma_wait3A = arith.constant 0 : i32
      %dma_wait3A_15 = arith.constant 0 : i32
      %dma_wait3A_16 = tpu.memref_slice %arg2[%dma_wait3A, %dma_wait3A_15] : memref<10000x128xf32, #tpu.memory_space<hbm>> -> memref<10000x128xf32, #tpu.memory_space<hbm>>
      tpu.wait_indirect_dma semaphore(%arg11 : memref<!tpu.dma_semaphore, #tpu.memory_space<semaphore_mem>>) src(%dma_wait3A_16 : memref<10000x128xf32, #tpu.memory_space<hbm>>) dst(%arg10 : memref<128x128xf32, #tpu.memory_space<vmem>>)
      "tpu.region"() ({
        %run_scoped3A = tpu.sem_alloc : memref<!tpu.dma_semaphore, #tpu.memory_space<semaphore_mem>>
        %dma_start3A_17 = arith.constant 0 : i32
        %dma_start3A_18 = arith.constant 0 : i32
        %dma_start3A_19 = tpu.memref_slice %arg7[%dma_start3A_17, %dma_start3A_18] : memref<10112x128xf32, #tpu.memory_space<vmem_shared>> -> memref<10112x128xf32, #tpu.memory_space<vmem_shared>>
        tpu.enqueue_indirect_dma source(%arg10 : memref<128x128xf32, #tpu.memory_space<vmem>>) target(%dma_start3A_19 : memref<10112x128xf32, #tpu.memory_space<vmem_shared>>) offsets(%arg9 : memref<128xi32, #tpu.memory_space<vmem>>) semaphore(%run_scoped3A : memref<!tpu.dma_semaphore, #tpu.memory_space<semaphore_mem>>) {add = true}
        %dma_wait3A_20 = arith.constant 0 : i32
        %dma_wait3A_21 = arith.constant 0 : i32
        %dma_wait3A_22 = tpu.memref_slice %arg7[%dma_wait3A_20, %dma_wait3A_21] : memref<10112x128xf32, #tpu.memory_space<vmem_shared>> -> memref<10112x128xf32, #tpu.memory_space<vmem_shared>>
        tpu.wait_indirect_dma semaphore(%run_scoped3A : memref<!tpu.dma_semaphore, #tpu.memory_space<semaphore_mem>>) src(%arg10 : memref<128x128xf32, #tpu.memory_space<vmem>>) dst(%dma_wait3A_22 : memref<10112x128xf32, #tpu.memory_space<vmem_shared>>)
        tpu.yield
      }) : () -> ()
    }
    %scan3A_7 = arith.constant 79 : i32
    %barrier3A_8 = arith.constant 0 : index
    tpu.barrier barrier_id(%barrier3A_8)
    "tpu.region"() ({
      %run_scoped3A = tpu.sem_alloc : memref<!tpu.dma_semaphore, #tpu.memory_space<semaphore_mem>>
      %dma_start3A = arith.constant 0 : i32
      %dma_start3A_9 = tpu.memref_slice %arg6[%arg0, %multiple_of3A, %dma_start3A] : memref<2x10112x128xf32, #tpu.memory_space<hbm>> -> memref<1x632x128xf32, #tpu.memory_space<hbm>>
      %dma_start3A_10 = tpu.memref_squeeze %dma_start3A_9 : memref<1x632x128xf32, #tpu.memory_space<hbm>> -> memref<632x128xf32, #tpu.memory_space<hbm>>
      %dma_start3A_11 = arith.constant 0 : i32
      %dma_start3A_12 = tpu.memref_slice %arg7[%multiple_of3A, %dma_start3A_11] : memref<10112x128xf32, #tpu.memory_space<vmem_shared>> -> memref<632x128xf32, #tpu.memory_space<vmem_shared>>
      tpu.enqueue_dma source(%dma_start3A_12 : memref<632x128xf32, #tpu.memory_space<vmem_shared>>) target(%dma_start3A_10 : memref<632x128xf32, #tpu.memory_space<hbm>>) target_semaphore(%run_scoped3A : memref<!tpu.dma_semaphore, #tpu.memory_space<semaphore_mem>>)
      %dma_wait3A = arith.constant 0 : i32
      %dma_wait3A_13 = tpu.memref_slice %arg6[%arg0, %multiple_of3A, %dma_wait3A] : memref<2x10112x128xf32, #tpu.memory_space<hbm>> -> memref<1x632x128xf32, #tpu.memory_space<hbm>>
      %dma_wait3A_14 = tpu.memref_squeeze %dma_wait3A_13 : memref<1x632x128xf32, #tpu.memory_space<hbm>> -> memref<632x128xf32, #tpu.memory_space<hbm>>
      %dma_wait3A_15 = arith.constant 0 : i32
      %dma_wait3A_16 = tpu.memref_slice %arg7[%multiple_of3A, %dma_wait3A_15] : memref<10112x128xf32, #tpu.memory_space<vmem_shared>> -> memref<632x128xf32, #tpu.memory_space<vmem_shared>>
      tpu.wait_dma2 semaphore(%run_scoped3A : memref<!tpu.dma_semaphore, #tpu.memory_space<semaphore_mem>>) src(%dma_wait3A_16 : memref<632x128xf32, #tpu.memory_space<vmem_shared>>) dst(%dma_wait3A_14 : memref<632x128xf32, #tpu.memory_space<hbm>>)
      tpu.yield
    }) : () -> ()
    return
  }
}

module attributes {stable_mosaic.version = 14 : i64} {
  func.func @body(%arg0: i32, %arg1: memref<1000x128xf32, #tpu.memory_space<vmem>>, %arg2: memref<2x1000x128xf32, #tpu.memory_space<vmem>>, %arg3: memref<1x128xf32, #tpu.memory_space<vmem>>, %arg4: memref<1x128xf32, #tpu.memory_space<vmem>>, %arg5: memref<128x128xf32, #tpu.memory_space<vmem>>, %arg6: memref<1x128xf32, #tpu.memory_space<vmem>>, %arg7: memref<128x128xf32, #tpu.memory_space<vmem>>, %arg8: memref<1000x128xf32, #tpu.memory_space<vmem>>, %arg9: memref<1000x128xf32, #tpu.memory_space<vmem>>, %arg10: memref<1000x1xf32, #tpu.memory_space<vmem>>) attributes {dimension_semantics = [#tpu.dimension_semantics<arbitrary>], iteration_bounds = array<i64: 10>, scalar_prefetch = 0 : i64, scratch_operands = 0 : i64, tpu.core_type = #tpu.core_type<tc>, window_params = [{transform_indices = @transform_0, window_bounds = array<i64: 1000, 128>}, {transform_indices = @transform_1, window_bounds = array<i64: 2, 1000, 128>}, {pipeline_mode = #tpu.pipeline_mode<synchronous>, transform_indices = @transform_2, window_bounds = array<i64: 1, 128>}, {pipeline_mode = #tpu.pipeline_mode<synchronous>, transform_indices = @transform_3, window_bounds = array<i64: 1, 128>}, {pipeline_mode = #tpu.pipeline_mode<synchronous>, transform_indices = @transform_4, window_bounds = array<i64: 128, 128>}, {pipeline_mode = #tpu.pipeline_mode<synchronous>, transform_indices = @transform_5, window_bounds = array<i64: 1, 128>}, {pipeline_mode = #tpu.pipeline_mode<synchronous>, transform_indices = @transform_6, window_bounds = array<i64: 128, 128>}, {transform_indices = @transform_7, window_bounds = array<i64: 1000, 128>}, {transform_indices = @transform_8, window_bounds = array<i64: 1000, 128>}, {transform_indices = @transform_9, window_bounds = array<i64: 1000, 1>}]} {
    %get3A = arith.constant 0 : index
    %get3A_0 = arith.constant 0 : index
    %get3A_1 = vector.load %arg1[%get3A, %get3A_0] : memref<1000x128xf32, #tpu.memory_space<vmem>>, vector<1000x128xf32>
    %get3A_2 = arith.constant 0 : index
    %get3A_3 = arith.constant 0 : index
    %get3A_4 = vector.load %arg3[%get3A_2, %get3A_3] : memref<1x128xf32, #tpu.memory_space<vmem>>, vector<1x128xf32>
    %mul3A = arith.constant 0.999994993 : f32
    %mul3A_5 = vector.broadcast %mul3A : f32 to vector<1x128xf32>
    %mul3A_6 = arith.mulf %get3A_4, %mul3A_5 : vector<1x128xf32>
    %mul3A_7 = vector.broadcast %mul3A_6 : vector<1x128xf32> to vector<1000x128xf32>
    %mul3A_8 = arith.mulf %get3A_1, %mul3A_7 : vector<1000x128xf32>
    %get3A_9 = arith.constant 0 : index
    %get3A_10 = arith.constant 0 : index
    %get3A_11 = vector.load %arg4[%get3A_9, %get3A_10] : memref<1x128xf32, #tpu.memory_space<vmem>>, vector<1x128xf32>
    %add3A = vector.broadcast %get3A_11 : vector<1x128xf32> to vector<1000x128xf32>
    %add3A_12 = arith.addf %mul3A_8, %add3A : vector<1000x128xf32>
    %get3A_13 = arith.constant 0 : index
    %get3A_14 = arith.constant 0 : index
    %get3A_15 = vector.load %arg5[%get3A_13, %get3A_14] : memref<128x128xf32, #tpu.memory_space<vmem>>, vector<128x128xf32>
    %dot_general3A = arith.constant dense<0.000000e+00> : vector<1000x128xf32>
    %dot_general3A_16 = tpu.matmul %add3A_12, %get3A_15, %dot_general3A {dimension_numbers = #tpu.dot_dimension_numbers<[1], [0], [0], [1], [0, 0, 1, 1], [], []>, transpose_lhs_hint = false} : vector<1000x128xf32>, vector<128x128xf32>, vector<1000x128xf32> -> vector<1000x128xf32>
    %get3A_17 = arith.constant 0 : index
    %get3A_18 = arith.constant 0 : index
    %get3A_19 = vector.load %arg6[%get3A_17, %get3A_18] : memref<1x128xf32, #tpu.memory_space<vmem>>, vector<1x128xf32>
    %add3A_20 = vector.broadcast %get3A_19 : vector<1x128xf32> to vector<1000x128xf32>
    %add3A_21 = arith.addf %dot_general3A_16, %add3A_20 : vector<1000x128xf32>
    %get3A_22 = arith.constant 0 : index
    %get3A_23 = arith.constant 0 : index
    %get3A_24 = arith.constant 0 : index
    %get3A_25 = vector.load %arg2[%get3A_22, %get3A_23, %get3A_24] : memref<2x1000x128xf32, #tpu.memory_space<vmem>>, vector<2x1000x128xf32>
    %slice3A = vector.extract_strided_slice %get3A_25 {offsets = [0, 0, 0], sizes = [1, 1000, 128], strides = [1, 1, 1]} : vector<2x1000x128xf32> to vector<1x1000x128xf32>
    %squeeze3A = vector.shape_cast %slice3A : vector<1x1000x128xf32> to vector<1000x128xf32>
    %slice3A_26 = vector.extract_strided_slice %get3A_25 {offsets = [1, 0, 0], sizes = [1, 1000, 128], strides = [1, 1, 1]} : vector<2x1000x128xf32> to vector<1x1000x128xf32>
    %squeeze3A_27 = vector.shape_cast %slice3A_26 : vector<1x1000x128xf32> to vector<1000x128xf32>
    %add3A_28 = arith.addf %squeeze3A, %squeeze3A_27 : vector<1000x128xf32>
    %reduce_sum3A = arith.constant dense<0.000000e+00> : vector<1000xf32>
    %reduce_sum3A_29 = vector.multi_reduction <add>, %add3A_28, %reduce_sum3A [1] : vector<1000x128xf32> to vector<1000xf32>
    %mul3A_30 = arith.constant 7.812500e-03 : f32
    %mul3A_31 = vector.broadcast %mul3A_30 : f32 to vector<1000xf32>
    %mul3A_32 = arith.mulf %reduce_sum3A_29, %mul3A_31 : vector<1000xf32>
    %add3A_33 = arith.constant 1.000000e+00 : f32
    %add3A_34 = vector.broadcast %add3A_33 : f32 to vector<1000xf32>
    %add3A_35 = arith.addf %mul3A_32, %add3A_34 : vector<1000xf32>
    %rsqrt3A = math.rsqrt %add3A_35 : vector<1000xf32>
    %broadcast_in_dim3A = vector.shape_cast %rsqrt3A : vector<1000xf32> to vector<1000x1xf32>
    %swap3A = arith.constant 0 : index
    %swap3A_36 = arith.constant 0 : index
    %swap3A_37 = vector.load %arg8[%swap3A, %swap3A_36] : memref<1000x128xf32, #tpu.memory_space<vmem>>, vector<1000x128xf32>
    tpu.vector_store %arg8[%swap3A, %swap3A_36], %add3A_21 {strides = array<i32>} : memref<1000x128xf32, #tpu.memory_space<vmem>>, vector<1000x128xf32>,
    %get3A_38 = arith.constant 0 : index
    %get3A_39 = arith.constant 0 : index
    %get3A_40 = vector.load %arg7[%get3A_38, %get3A_39] : memref<128x128xf32, #tpu.memory_space<vmem>>, vector<128x128xf32>
    %dot_general3A_41 = arith.constant dense<0.000000e+00> : vector<1000x128xf32>
    %dot_general3A_42 = tpu.matmul %add3A_21, %get3A_40, %dot_general3A_41 {dimension_numbers = #tpu.dot_dimension_numbers<[1], [0], [0], [1], [0, 0, 1, 1], [], []>, transpose_lhs_hint = false} : vector<1000x128xf32>, vector<128x128xf32>, vector<1000x128xf32> -> vector<1000x128xf32>
    %mul3A_43 = vector.broadcast %broadcast_in_dim3A : vector<1000x1xf32> to vector<1000x128xf32>
    %mul3A_44 = arith.mulf %dot_general3A_42, %mul3A_43 : vector<1000x128xf32>
    %swap3A_45 = arith.constant 0 : index
    %swap3A_46 = arith.constant 0 : index
    %swap3A_47 = vector.load %arg9[%swap3A_45, %swap3A_46] : memref<1000x128xf32, #tpu.memory_space<vmem>>, vector<1000x128xf32>
    tpu.vector_store %arg9[%swap3A_45, %swap3A_46], %mul3A_44 {strides = array<i32>} : memref<1000x128xf32, #tpu.memory_space<vmem>>, vector<1000x128xf32>,
    %swap3A_48 = arith.constant 0 : index
    %swap3A_49 = arith.constant 0 : index
    %swap3A_50 = vector.load %arg10[%swap3A_48, %swap3A_49] : memref<1000x1xf32, #tpu.memory_space<vmem>>, vector<1000x1xf32>
    tpu.vector_store %arg10[%swap3A_48, %swap3A_49], %broadcast_in_dim3A {strides = array<i32>} : memref<1000x1xf32, #tpu.memory_space<vmem>>, vector<1000x1xf32>,
    return
  }
  func.func @transform_0(%arg0: i32) -> (i32, i32) {
    %c0_i32 = arith.constant 0 : i32
    %c0_i32_0 = arith.constant 0 : i32
    return %arg0, %c0_i32 : i32, i32
  }
  func.func @transform_1(%arg0: i32) -> (i32, i32, i32) {
    %c0_i32 = arith.constant 0 : i32
    %c0_i32_0 = arith.constant 0 : i32
    %c0_i32_1 = arith.constant 0 : i32
    return %c0_i32, %arg0, %c0_i32_0 : i32, i32, i32
  }
  func.func @transform_2(%arg0: i32) -> (i32, i32) {
    %c0_i32 = arith.constant 0 : i32
    %c0_i32_0 = arith.constant 0 : i32
    %c0_i32_1 = arith.constant 0 : i32
    return %c0_i32, %c0_i32_0 : i32, i32
  }
  func.func @transform_3(%arg0: i32) -> (i32, i32) {
    %c0_i32 = arith.constant 0 : i32
    %c0_i32_0 = arith.constant 0 : i32
    %c0_i32_1 = arith.constant 0 : i32
    return %c0_i32, %c0_i32_0 : i32, i32
  }
  func.func @transform_4(%arg0: i32) -> (i32, i32) {
    %c0_i32 = arith.constant 0 : i32
    %c0_i32_0 = arith.constant 0 : i32
    %c0_i32_1 = arith.constant 0 : i32
    return %c0_i32, %c0_i32_0 : i32, i32
  }
  func.func @transform_5(%arg0: i32) -> (i32, i32) {
    %c0_i32 = arith.constant 0 : i32
    %c0_i32_0 = arith.constant 0 : i32
    %c0_i32_1 = arith.constant 0 : i32
    return %c0_i32, %c0_i32_0 : i32, i32
  }
  func.func @transform_6(%arg0: i32) -> (i32, i32) {
    %c0_i32 = arith.constant 0 : i32
    %c0_i32_0 = arith.constant 0 : i32
    %c0_i32_1 = arith.constant 0 : i32
    return %c0_i32, %c0_i32_0 : i32, i32
  }
  func.func @transform_7(%arg0: i32) -> (i32, i32) {
    %c0_i32 = arith.constant 0 : i32
    %c0_i32_0 = arith.constant 0 : i32
    return %arg0, %c0_i32 : i32, i32
  }
  func.func @transform_8(%arg0: i32) -> (i32, i32) {
    %c0_i32 = arith.constant 0 : i32
    %c0_i32_0 = arith.constant 0 : i32
    return %arg0, %c0_i32 : i32, i32
  }
  func.func @transform_9(%arg0: i32) -> (i32, i32) {
    %c0_i32 = arith.constant 0 : i32
    %c0_i32_0 = arith.constant 0 : i32
    return %arg0, %c0_i32 : i32, i32
  }
}

module attributes {stable_mosaic.version = 14 : i64} {
  func.func @body(%arg0: i32, %arg1: memref<2x1000x128xf32, #tpu.memory_space<vmem>>, %arg2: memref<1000x128xf32, #tpu.memory_space<vmem>>, %arg3: memref<1000x128xf32, #tpu.memory_space<vmem>>, %arg4: memref<1000x1xf32, #tpu.memory_space<vmem>>, %arg5: memref<1x128xf32, #tpu.memory_space<vmem>>, %arg6: memref<1x128xf32, #tpu.memory_space<vmem>>, %arg7: memref<1x128xf32, #tpu.memory_space<vmem>>, %arg8: memref<128x128xf32, #tpu.memory_space<vmem>>, %arg9: memref<1000x128xf32, #tpu.memory_space<vmem>>, %arg10: memref<1000x128xf32, #tpu.memory_space<vmem>>) attributes {dimension_semantics = [#tpu.dimension_semantics<arbitrary>], iteration_bounds = array<i64: 10>, scalar_prefetch = 0 : i64, scratch_operands = 0 : i64, tpu.core_type = #tpu.core_type<tc>, window_params = [{transform_indices = @transform_0, window_bounds = array<i64: 2, 1000, 128>}, {transform_indices = @transform_1, window_bounds = array<i64: 1000, 128>}, {transform_indices = @transform_2, window_bounds = array<i64: 1000, 128>}, {transform_indices = @transform_3, window_bounds = array<i64: 1000, 1>}, {pipeline_mode = #tpu.pipeline_mode<synchronous>, transform_indices = @transform_4, window_bounds = array<i64: 1, 128>}, {pipeline_mode = #tpu.pipeline_mode<synchronous>, transform_indices = @transform_5, window_bounds = array<i64: 1, 128>}, {pipeline_mode = #tpu.pipeline_mode<synchronous>, transform_indices = @transform_6, window_bounds = array<i64: 1, 128>}, {pipeline_mode = #tpu.pipeline_mode<synchronous>, transform_indices = @transform_7, window_bounds = array<i64: 128, 128>}, {transform_indices = @transform_8, window_bounds = array<i64: 1000, 128>}, {transform_indices = @transform_9, window_bounds = array<i64: 1000, 128>}]} {
    %get3A = arith.constant 0 : index
    %get3A_0 = arith.constant 0 : index
    %get3A_1 = arith.constant 0 : index
    %get3A_2 = vector.load %arg1[%get3A, %get3A_0, %get3A_1] : memref<2x1000x128xf32, #tpu.memory_space<vmem>>, vector<2x1000x128xf32>
    %get3A_3 = arith.constant 0 : index
    %get3A_4 = arith.constant 0 : index
    %get3A_5 = vector.load %arg4[%get3A_3, %get3A_4] : memref<1000x1xf32, #tpu.memory_space<vmem>>, vector<1000x1xf32>
    %slice3A = vector.extract_strided_slice %get3A_2 {offsets = [0, 0, 0], sizes = [1, 1000, 128], strides = [1, 1, 1]} : vector<2x1000x128xf32> to vector<1x1000x128xf32>
    %squeeze3A = vector.shape_cast %slice3A : vector<1x1000x128xf32> to vector<1000x128xf32>
    %slice3A_6 = vector.extract_strided_slice %get3A_2 {offsets = [1, 0, 0], sizes = [1, 1000, 128], strides = [1, 1, 1]} : vector<2x1000x128xf32> to vector<1x1000x128xf32>
    %squeeze3A_7 = vector.shape_cast %slice3A_6 : vector<1x1000x128xf32> to vector<1000x128xf32>
    %add3A = arith.addf %squeeze3A, %squeeze3A_7 : vector<1000x128xf32>
    %get3A_8 = arith.constant 0 : index
    %get3A_9 = arith.constant 0 : index
    %get3A_10 = vector.load %arg2[%get3A_8, %get3A_9] : memref<1000x128xf32, #tpu.memory_space<vmem>>, vector<1000x128xf32>
    %add3A_11 = arith.addf %add3A, %get3A_10 : vector<1000x128xf32>
    %mul3A = vector.broadcast %get3A_5 : vector<1000x1xf32> to vector<1000x128xf32>
    %mul3A_12 = arith.mulf %add3A_11, %mul3A : vector<1000x128xf32>
    %get3A_13 = arith.constant 0 : index
    %get3A_14 = arith.constant 0 : index
    %get3A_15 = vector.load %arg5[%get3A_13, %get3A_14] : memref<1x128xf32, #tpu.memory_space<vmem>>, vector<1x128xf32>
    %add3A_16 = vector.broadcast %get3A_15 : vector<1x128xf32> to vector<1000x128xf32>
    %add3A_17 = arith.addf %mul3A_12, %add3A_16 : vector<1000x128xf32>
    %get3A_18 = arith.constant 0 : index
    %get3A_19 = arith.constant 0 : index
    %get3A_20 = vector.load %arg6[%get3A_18, %get3A_19] : memref<1x128xf32, #tpu.memory_space<vmem>>, vector<1x128xf32>
    %get3A_21 = arith.constant 0 : index
    %get3A_22 = arith.constant 0 : index
    %get3A_23 = vector.load %arg7[%get3A_21, %get3A_22] : memref<1x128xf32, #tpu.memory_space<vmem>>, vector<1x128xf32>
    %reduce_sum3A = arith.constant dense<0.000000e+00> : vector<1000xf32>
    %reduce_sum3A_24 = vector.multi_reduction <add>, %add3A_17, %reduce_sum3A [1] : vector<1000x128xf32> to vector<1000xf32>
    %broadcast_in_dim3A = vector.shape_cast %reduce_sum3A_24 : vector<1000xf32> to vector<1000x1xf32>
    %div3A = arith.constant 1.280000e+02 : f32
    %div3A_25 = vector.broadcast %div3A : f32 to vector<1000x1xf32>
    %div3A_26 = arith.divf %broadcast_in_dim3A, %div3A_25 : vector<1000x1xf32>
    %sub3A = vector.broadcast %div3A_26 : vector<1000x1xf32> to vector<1000x128xf32>
    %sub3A_27 = arith.subf %add3A_17, %sub3A : vector<1000x128xf32>
    %mul3A_28 = arith.mulf %sub3A_27, %sub3A_27 : vector<1000x128xf32>
    %reduce_sum3A_29 = arith.constant dense<0.000000e+00> : vector<1000xf32>
    %reduce_sum3A_30 = vector.multi_reduction <add>, %mul3A_28, %reduce_sum3A_29 [1] : vector<1000x128xf32> to vector<1000xf32>
    %broadcast_in_dim3A_31 = vector.shape_cast %reduce_sum3A_30 : vector<1000xf32> to vector<1000x1xf32>
    %div3A_32 = arith.constant 1.280000e+02 : f32
    %div3A_33 = vector.broadcast %div3A_32 : f32 to vector<1000x1xf32>
    %div3A_34 = arith.divf %broadcast_in_dim3A_31, %div3A_33 : vector<1000x1xf32>
    %add3A_35 = arith.constant 9.99999974E-6 : f32
    %add3A_36 = vector.broadcast %add3A_35 : f32 to vector<1000x1xf32>
    %add3A_37 = arith.addf %div3A_34, %add3A_36 : vector<1000x1xf32>
    %rsqrt3A = math.rsqrt %add3A_37 : vector<1000x1xf32>
    %mul3A_38 = vector.broadcast %rsqrt3A : vector<1000x1xf32> to vector<1000x128xf32>
    %mul3A_39 = arith.mulf %sub3A_27, %mul3A_38 : vector<1000x128xf32>
    %mul3A_40 = vector.broadcast %get3A_20 : vector<1x128xf32> to vector<1000x128xf32>
    %mul3A_41 = arith.mulf %mul3A_39, %mul3A_40 : vector<1000x128xf32>
    %add3A_42 = vector.broadcast %get3A_23 : vector<1x128xf32> to vector<1000x128xf32>
    %add3A_43 = arith.addf %mul3A_41, %add3A_42 : vector<1000x128xf32>
    %ge3A = arith.constant 0.000000e+00 : f32
    %ge3A_44 = vector.broadcast %ge3A : f32 to vector<1000x128xf32>
    %ge3A_45 = arith.cmpf oge, %add3A_43, %ge3A_44 : vector<1000x128xf32>
    %mul3A_46 = arith.constant 1.000000e-01 : f32
    %mul3A_47 = vector.broadcast %mul3A_46 : f32 to vector<1000x128xf32>
    %mul3A_48 = arith.mulf %mul3A_47, %add3A_43 : vector<1000x128xf32>
    %select_n3A = arith.select %ge3A_45, %add3A_43, %mul3A_48 : vector<1000x128xi1>, vector<1000x128xf32>
    %get3A_49 = arith.constant 0 : index
    %get3A_50 = arith.constant 0 : index
    %get3A_51 = vector.load %arg3[%get3A_49, %get3A_50] : memref<1000x128xf32, #tpu.memory_space<vmem>>, vector<1000x128xf32>
    %add3A_52 = arith.addf %select_n3A, %get3A_51 : vector<1000x128xf32>
    %swap3A = arith.constant 0 : index
    %swap3A_53 = arith.constant 0 : index
    %swap3A_54 = vector.load %arg9[%swap3A, %swap3A_53] : memref<1000x128xf32, #tpu.memory_space<vmem>>, vector<1000x128xf32>
    tpu.vector_store %arg9[%swap3A, %swap3A_53], %add3A_52 {strides = array<i32>} : memref<1000x128xf32, #tpu.memory_space<vmem>>, vector<1000x128xf32>,
    %get3A_55 = arith.constant 0 : index
    %get3A_56 = arith.constant 0 : index
    %get3A_57 = vector.load %arg8[%get3A_55, %get3A_56] : memref<128x128xf32, #tpu.memory_space<vmem>>, vector<128x128xf32>
    %dot_general3A = arith.constant dense<0.000000e+00> : vector<1000x128xf32>
    %dot_general3A_58 = tpu.matmul %add3A_52, %get3A_57, %dot_general3A {dimension_numbers = #tpu.dot_dimension_numbers<[1], [0], [0], [1], [0, 0, 1, 1], [], []>, transpose_lhs_hint = false} : vector<1000x128xf32>, vector<128x128xf32>, vector<1000x128xf32> -> vector<1000x128xf32>
    %mul3A_59 = vector.broadcast %get3A_5 : vector<1000x1xf32> to vector<1000x128xf32>
    %mul3A_60 = arith.mulf %dot_general3A_58, %mul3A_59 : vector<1000x128xf32>
    %swap3A_61 = arith.constant 0 : index
    %swap3A_62 = arith.constant 0 : index
    %swap3A_63 = vector.load %arg10[%swap3A_61, %swap3A_62] : memref<1000x128xf32, #tpu.memory_space<vmem>>, vector<1000x128xf32>
    tpu.vector_store %arg10[%swap3A_61, %swap3A_62], %mul3A_60 {strides = array<i32>} : memref<1000x128xf32, #tpu.memory_space<vmem>>, vector<1000x128xf32>,
    return
  }
  func.func @transform_0(%arg0: i32) -> (i32, i32, i32) {
    %c0_i32 = arith.constant 0 : i32
    %c0_i32_0 = arith.constant 0 : i32
    %c0_i32_1 = arith.constant 0 : i32
    return %c0_i32, %arg0, %c0_i32_0 : i32, i32, i32
  }
  func.func @transform_1(%arg0: i32) -> (i32, i32) {
    %c0_i32 = arith.constant 0 : i32
    %c0_i32_0 = arith.constant 0 : i32
    return %arg0, %c0_i32 : i32, i32
  }
  func.func @transform_2(%arg0: i32) -> (i32, i32) {
    %c0_i32 = arith.constant 0 : i32
    %c0_i32_0 = arith.constant 0 : i32
    return %arg0, %c0_i32 : i32, i32
  }
  func.func @transform_3(%arg0: i32) -> (i32, i32) {
    %c0_i32 = arith.constant 0 : i32
    %c0_i32_0 = arith.constant 0 : i32
    return %arg0, %c0_i32 : i32, i32
  }
  func.func @transform_4(%arg0: i32) -> (i32, i32) {
    %c0_i32 = arith.constant 0 : i32
    %c0_i32_0 = arith.constant 0 : i32
    %c0_i32_1 = arith.constant 0 : i32
    return %c0_i32, %c0_i32_0 : i32, i32
  }
  func.func @transform_5(%arg0: i32) -> (i32, i32) {
    %c0_i32 = arith.constant 0 : i32
    %c0_i32_0 = arith.constant 0 : i32
    %c0_i32_1 = arith.constant 0 : i32
    return %c0_i32, %c0_i32_0 : i32, i32
  }
  func.func @transform_6(%arg0: i32) -> (i32, i32) {
    %c0_i32 = arith.constant 0 : i32
    %c0_i32_0 = arith.constant 0 : i32
    %c0_i32_1 = arith.constant 0 : i32
    return %c0_i32, %c0_i32_0 : i32, i32
  }
  func.func @transform_7(%arg0: i32) -> (i32, i32) {
    %c0_i32 = arith.constant 0 : i32
    %c0_i32_0 = arith.constant 0 : i32
    %c0_i32_1 = arith.constant 0 : i32
    return %c0_i32, %c0_i32_0 : i32, i32
  }
  func.func @transform_8(%arg0: i32) -> (i32, i32) {
    %c0_i32 = arith.constant 0 : i32
    %c0_i32_0 = arith.constant 0 : i32
    return %arg0, %c0_i32 : i32, i32
  }
  func.func @transform_9(%arg0: i32) -> (i32, i32) {
    %c0_i32 = arith.constant 0 : i32
    %c0_i32_0 = arith.constant 0 : i32
    return %arg0, %c0_i32 : i32, i32
  }
}

module attributes {stable_mosaic.version = 14 : i64} {
  func.func @body(%arg0: i32, %arg1: memref<2x1000x128xf32, #tpu.memory_space<vmem>>, %arg2: memref<1000x128xf32, #tpu.memory_space<vmem>>, %arg3: memref<1000x128xf32, #tpu.memory_space<vmem>>, %arg4: memref<1000x1xf32, #tpu.memory_space<vmem>>, %arg5: memref<1x128xf32, #tpu.memory_space<vmem>>, %arg6: memref<1x128xf32, #tpu.memory_space<vmem>>, %arg7: memref<1x128xf32, #tpu.memory_space<vmem>>, %arg8: memref<128x128xf32, #tpu.memory_space<vmem>>, %arg9: memref<1x128xf32, #tpu.memory_space<vmem>>, %arg10: memref<1x128xf32, #tpu.memory_space<vmem>>, %arg11: memref<1x128xf32, #tpu.memory_space<vmem>>, %arg12: memref<128x128xf32, #tpu.memory_space<vmem>>, %arg13: memref<1x128xf32, #tpu.memory_space<vmem>>, %arg14: memref<1x128xf32, #tpu.memory_space<vmem>>, %arg15: memref<1x128xf32, #tpu.memory_space<vmem>>) attributes {dimension_semantics = [#tpu.dimension_semantics<arbitrary>], iteration_bounds = array<i64: 10>, scalar_prefetch = 0 : i64, scratch_operands = 1 : i64, tpu.core_type = #tpu.core_type<tc>, window_params = [{transform_indices = @transform_0, window_bounds = array<i64: 2, 1000, 128>}, {transform_indices = @transform_1, window_bounds = array<i64: 1000, 128>}, {transform_indices = @transform_2, window_bounds = array<i64: 1000, 128>}, {transform_indices = @transform_3, window_bounds = array<i64: 1000, 1>}, {pipeline_mode = #tpu.pipeline_mode<synchronous>, transform_indices = @transform_4, window_bounds = array<i64: 1, 128>}, {pipeline_mode = #tpu.pipeline_mode<synchronous>, transform_indices = @transform_5, window_bounds = array<i64: 1, 128>}, {pipeline_mode = #tpu.pipeline_mode<synchronous>, transform_indices = @transform_6, window_bounds = array<i64: 1, 128>}, {pipeline_mode = #tpu.pipeline_mode<synchronous>, transform_indices = @transform_7, window_bounds = array<i64: 128, 128>}, {pipeline_mode = #tpu.pipeline_mode<synchronous>, transform_indices = @transform_8, window_bounds = array<i64: 1, 128>}, {pipeline_mode = #tpu.pipeline_mode<synchronous>, transform_indices = @transform_9, window_bounds = array<i64: 1, 128>}, {pipeline_mode = #tpu.pipeline_mode<synchronous>, transform_indices = @transform_10, window_bounds = array<i64: 1, 128>}, {pipeline_mode = #tpu.pipeline_mode<synchronous>, transform_indices = @transform_11, window_bounds = array<i64: 128, 128>}, {pipeline_mode = #tpu.pipeline_mode<synchronous>, transform_indices = @transform_12, window_bounds = array<i64: 1, 128>}, {pipeline_mode = #tpu.pipeline_mode<synchronous>, transform_indices = @transform_13, window_bounds = array<i64: 1, 128>}]} {
    %get3A = arith.constant 0 : index
    %get3A_0 = arith.constant 0 : index
    %get3A_1 = arith.constant 0 : index
    %get3A_2 = vector.load %arg1[%get3A, %get3A_0, %get3A_1] : memref<2x1000x128xf32, #tpu.memory_space<vmem>>, vector<2x1000x128xf32>
    %slice3A = vector.extract_strided_slice %get3A_2 {offsets = [0, 0, 0], sizes = [1, 1000, 128], strides = [1, 1, 1]} : vector<2x1000x128xf32> to vector<1x1000x128xf32>
    %squeeze3A = vector.shape_cast %slice3A : vector<1x1000x128xf32> to vector<1000x128xf32>
    %slice3A_3 = vector.extract_strided_slice %get3A_2 {offsets = [1, 0, 0], sizes = [1, 1000, 128], strides = [1, 1, 1]} : vector<2x1000x128xf32> to vector<1x1000x128xf32>
    %squeeze3A_4 = vector.shape_cast %slice3A_3 : vector<1x1000x128xf32> to vector<1000x128xf32>
    %add3A = arith.addf %squeeze3A, %squeeze3A_4 : vector<1000x128xf32>
    %get3A_5 = arith.constant 0 : index
    %get3A_6 = arith.constant 0 : index
    %get3A_7 = vector.load %arg2[%get3A_5, %get3A_6] : memref<1000x128xf32, #tpu.memory_space<vmem>>, vector<1000x128xf32>
    %add3A_8 = arith.addf %add3A, %get3A_7 : vector<1000x128xf32>
    %get3A_9 = arith.constant 0 : index
    %get3A_10 = arith.constant 0 : index
    %get3A_11 = vector.load %arg4[%get3A_9, %get3A_10] : memref<1000x1xf32, #tpu.memory_space<vmem>>, vector<1000x1xf32>
    %mul3A = vector.broadcast %get3A_11 : vector<1000x1xf32> to vector<1000x128xf32>
    %mul3A_12 = arith.mulf %add3A_8, %mul3A : vector<1000x128xf32>
    %get3A_13 = arith.constant 0 : index
    %get3A_14 = arith.constant 0 : index
    %get3A_15 = vector.load %arg5[%get3A_13, %get3A_14] : memref<1x128xf32, #tpu.memory_space<vmem>>, vector<1x128xf32>
    %add3A_16 = vector.broadcast %get3A_15 : vector<1x128xf32> to vector<1000x128xf32>
    %add3A_17 = arith.addf %mul3A_12, %add3A_16 : vector<1000x128xf32>
    %get3A_18 = arith.constant 0 : index
    %get3A_19 = arith.constant 0 : index
    %get3A_20 = vector.load %arg6[%get3A_18, %get3A_19] : memref<1x128xf32, #tpu.memory_space<vmem>>, vector<1x128xf32>
    %get3A_21 = arith.constant 0 : index
    %get3A_22 = arith.constant 0 : index
    %get3A_23 = vector.load %arg7[%get3A_21, %get3A_22] : memref<1x128xf32, #tpu.memory_space<vmem>>, vector<1x128xf32>
    %reduce_sum3A = arith.constant dense<0.000000e+00> : vector<1000xf32>
    %reduce_sum3A_24 = vector.multi_reduction <add>, %add3A_17, %reduce_sum3A [1] : vector<1000x128xf32> to vector<1000xf32>
    %broadcast_in_dim3A = vector.shape_cast %reduce_sum3A_24 : vector<1000xf32> to vector<1000x1xf32>
    %div3A = arith.constant 1.280000e+02 : f32
    %div3A_25 = vector.broadcast %div3A : f32 to vector<1000x1xf32>
    %div3A_26 = arith.divf %broadcast_in_dim3A, %div3A_25 : vector<1000x1xf32>
    %sub3A = vector.broadcast %div3A_26 : vector<1000x1xf32> to vector<1000x128xf32>
    %sub3A_27 = arith.subf %add3A_17, %sub3A : vector<1000x128xf32>
    %mul3A_28 = arith.mulf %sub3A_27, %sub3A_27 : vector<1000x128xf32>
    %reduce_sum3A_29 = arith.constant dense<0.000000e+00> : vector<1000xf32>
    %reduce_sum3A_30 = vector.multi_reduction <add>, %mul3A_28, %reduce_sum3A_29 [1] : vector<1000x128xf32> to vector<1000xf32>
    %broadcast_in_dim3A_31 = vector.shape_cast %reduce_sum3A_30 : vector<1000xf32> to vector<1000x1xf32>
    %div3A_32 = arith.constant 1.280000e+02 : f32
    %div3A_33 = vector.broadcast %div3A_32 : f32 to vector<1000x1xf32>
    %div3A_34 = arith.divf %broadcast_in_dim3A_31, %div3A_33 : vector<1000x1xf32>
    %add3A_35 = arith.constant 9.99999974E-6 : f32
    %add3A_36 = vector.broadcast %add3A_35 : f32 to vector<1000x1xf32>
    %add3A_37 = arith.addf %div3A_34, %add3A_36 : vector<1000x1xf32>
    %rsqrt3A = math.rsqrt %add3A_37 : vector<1000x1xf32>
    %mul3A_38 = vector.broadcast %rsqrt3A : vector<1000x1xf32> to vector<1000x128xf32>
    %mul3A_39 = arith.mulf %sub3A_27, %mul3A_38 : vector<1000x128xf32>
    %mul3A_40 = vector.broadcast %get3A_20 : vector<1x128xf32> to vector<1000x128xf32>
    %mul3A_41 = arith.mulf %mul3A_39, %mul3A_40 : vector<1000x128xf32>
    %add3A_42 = vector.broadcast %get3A_23 : vector<1x128xf32> to vector<1000x128xf32>
    %add3A_43 = arith.addf %mul3A_41, %add3A_42 : vector<1000x128xf32>
    %ge3A = arith.constant 0.000000e+00 : f32
    %ge3A_44 = vector.broadcast %ge3A : f32 to vector<1000x128xf32>
    %ge3A_45 = arith.cmpf oge, %add3A_43, %ge3A_44 : vector<1000x128xf32>
    %mul3A_46 = arith.constant 1.000000e-01 : f32
    %mul3A_47 = vector.broadcast %mul3A_46 : f32 to vector<1000x128xf32>
    %mul3A_48 = arith.mulf %mul3A_47, %add3A_43 : vector<1000x128xf32>
    %select_n3A = arith.select %ge3A_45, %add3A_43, %mul3A_48 : vector<1000x128xi1>, vector<1000x128xf32>
    %get3A_49 = arith.constant 0 : index
    %get3A_50 = arith.constant 0 : index
    %get3A_51 = vector.load %arg3[%get3A_49, %get3A_50] : memref<1000x128xf32, #tpu.memory_space<vmem>>, vector<1000x128xf32>
    %add3A_52 = arith.addf %select_n3A, %get3A_51 : vector<1000x128xf32>
    %reduce_sum3A_53 = arith.constant dense<0.000000e+00> : vector<128xf32>
    %reduce_sum3A_54 = vector.multi_reduction <add>, %add3A_52, %reduce_sum3A_53 [0] : vector<1000x128xf32> to vector<128xf32>
    %broadcast_in_dim3A_55 = vector.shape_cast %reduce_sum3A_54 : vector<128xf32> to vector<1x128xf32>
    %eq3A = arith.constant 0 : i32
    %eq3A_56 = arith.cmpi eq, %arg0, %eq3A : i32
    %convert_element_type3A = arith.extui %eq3A_56 : i1 to i32
    %cond3A = arith.constant 0 : i32
    %cond3A_57 = arith.cmpi ne, %convert_element_type3A, %cond3A : i32
    scf.if %cond3A_57 {
      %swap3A = arith.constant 0 : index
      %swap3A_67 = arith.constant 0 : index
      %swap3A_68 = vector.load %arg15[%swap3A, %swap3A_67] : memref<1x128xf32, #tpu.memory_space<vmem>>, vector<1x128xf32>
      tpu.vector_store %arg15[%swap3A, %swap3A_67], %broadcast_in_dim3A_55 {strides = array<i32>} : memref<1x128xf32, #tpu.memory_space<vmem>>, vector<1x128xf32>,
    } else {
    }
    %gt3A = arith.constant 0 : i32
    %gt3A_58 = arith.cmpi sgt, %arg0, %gt3A : i32
    %convert_element_type3A_59 = arith.extui %gt3A_58 : i1 to i32
    %cond3A_60 = arith.constant 0 : i32
    %cond3A_61 = arith.cmpi ne, %convert_element_type3A_59, %cond3A_60 : i32
    scf.if %cond3A_61 {
      %get3A_67 = arith.constant 0 : index
      %get3A_68 = arith.constant 0 : index
      %get3A_69 = vector.load %arg15[%get3A_67, %get3A_68] : memref<1x128xf32, #tpu.memory_space<vmem>>, vector<1x128xf32>
      %add3A_70 = arith.addf %get3A_69, %broadcast_in_dim3A_55 : vector<1x128xf32>
      %swap3A = arith.constant 0 : index
      %swap3A_71 = arith.constant 0 : index
      %swap3A_72 = vector.load %arg15[%swap3A, %swap3A_71] : memref<1x128xf32, #tpu.memory_space<vmem>>, vector<1x128xf32>
      tpu.vector_store %arg15[%swap3A, %swap3A_71], %add3A_70 {strides = array<i32>} : memref<1x128xf32, #tpu.memory_space<vmem>>, vector<1x128xf32>,
    } else {
    }
    %eq3A_62 = arith.constant 9 : i32
    %eq3A_63 = arith.cmpi eq, %arg0, %eq3A_62 : i32
    %convert_element_type3A_64 = arith.extui %eq3A_63 : i1 to i32
    %cond3A_65 = arith.constant 0 : i32
    %cond3A_66 = arith.cmpi ne, %convert_element_type3A_64, %cond3A_65 : i32
    scf.if %cond3A_66 {
      %get3A_67 = arith.constant 0 : index
      %get3A_68 = arith.constant 0 : index
      %get3A_69 = vector.load %arg15[%get3A_67, %get3A_68] : memref<1x128xf32, #tpu.memory_space<vmem>>, vector<1x128xf32>
      %mul3A_70 = arith.constant 9.99999974E-5 : f32
      %mul3A_71 = vector.broadcast %mul3A_70 : f32 to vector<1x128xf32>
      %mul3A_72 = arith.mulf %get3A_69, %mul3A_71 : vector<1x128xf32>
      %get3A_73 = arith.constant 0 : index
      %get3A_74 = arith.constant 0 : index
      %get3A_75 = vector.load %arg8[%get3A_73, %get3A_74] : memref<128x128xf32, #tpu.memory_space<vmem>>, vector<128x128xf32>
      %dot_general3A = arith.constant dense<0.000000e+00> : vector<1x128xf32>
      %dot_general3A_76 = tpu.matmul %mul3A_72, %get3A_75, %dot_general3A {dimension_numbers = #tpu.dot_dimension_numbers<[1], [0], [0], [1], [0, 0, 1, 1], [], []>, transpose_lhs_hint = false} : vector<1x128xf32>, vector<128x128xf32>, vector<1x128xf32> -> vector<1x128xf32>
      %get3A_77 = arith.constant 0 : index
      %get3A_78 = arith.constant 0 : index
      %get3A_79 = vector.load %arg9[%get3A_77, %get3A_78] : memref<1x128xf32, #tpu.memory_space<vmem>>, vector<1x128xf32>
      %add3A_80 = arith.addf %dot_general3A_76, %get3A_79 : vector<1x128xf32>
      %get3A_81 = arith.constant 0 : index
      %get3A_82 = arith.constant 0 : index
      %get3A_83 = vector.load %arg10[%get3A_81, %get3A_82] : memref<1x128xf32, #tpu.memory_space<vmem>>, vector<1x128xf32>
      %get3A_84 = arith.constant 0 : index
      %get3A_85 = arith.constant 0 : index
      %get3A_86 = vector.load %arg11[%get3A_84, %get3A_85] : memref<1x128xf32, #tpu.memory_space<vmem>>, vector<1x128xf32>
      %reduce_sum3A_87 = arith.constant dense<0.000000e+00> : vector<1xf32>
      %reduce_sum3A_88 = vector.multi_reduction <add>, %add3A_80, %reduce_sum3A_87 [1] : vector<1x128xf32> to vector<1xf32>
      %broadcast_in_dim3A_89 = vector.shape_cast %reduce_sum3A_88 : vector<1xf32> to vector<1x1xf32>
      %div3A_90 = arith.constant 1.280000e+02 : f32
      %div3A_91 = vector.broadcast %div3A_90 : f32 to vector<1x1xf32>
      %div3A_92 = arith.divf %broadcast_in_dim3A_89, %div3A_91 : vector<1x1xf32>
      %sub3A_93 = vector.broadcast %div3A_92 : vector<1x1xf32> to vector<1x128xf32>
      %sub3A_94 = arith.subf %add3A_80, %sub3A_93 : vector<1x128xf32>
      %mul3A_95 = arith.mulf %sub3A_94, %sub3A_94 : vector<1x128xf32>
      %reduce_sum3A_96 = arith.constant dense<0.000000e+00> : vector<1xf32>
      %reduce_sum3A_97 = vector.multi_reduction <add>, %mul3A_95, %reduce_sum3A_96 [1] : vector<1x128xf32> to vector<1xf32>
      %broadcast_in_dim3A_98 = vector.shape_cast %reduce_sum3A_97 : vector<1xf32> to vector<1x1xf32>
      %div3A_99 = arith.constant 1.280000e+02 : f32
      %div3A_100 = vector.broadcast %div3A_99 : f32 to vector<1x1xf32>
      %div3A_101 = arith.divf %broadcast_in_dim3A_98, %div3A_100 : vector<1x1xf32>
      %add3A_102 = arith.constant 9.99999974E-6 : f32
      %add3A_103 = vector.broadcast %add3A_102 : f32 to vector<1x1xf32>
      %add3A_104 = arith.addf %div3A_101, %add3A_103 : vector<1x1xf32>
      %rsqrt3A_105 = math.rsqrt %add3A_104 : vector<1x1xf32>
      %mul3A_106 = vector.broadcast %rsqrt3A_105 : vector<1x1xf32> to vector<1x128xf32>
      %mul3A_107 = arith.mulf %sub3A_94, %mul3A_106 : vector<1x128xf32>
      %mul3A_108 = arith.mulf %mul3A_107, %get3A_83 : vector<1x128xf32>
      %add3A_109 = arith.addf %mul3A_108, %get3A_86 : vector<1x128xf32>
      %ge3A_110 = arith.constant 0.000000e+00 : f32
      %ge3A_111 = vector.broadcast %ge3A_110 : f32 to vector<1x128xf32>
      %ge3A_112 = arith.cmpf oge, %add3A_109, %ge3A_111 : vector<1x128xf32>
      %mul3A_113 = arith.constant 1.000000e-01 : f32
      %mul3A_114 = vector.broadcast %mul3A_113 : f32 to vector<1x128xf32>
      %mul3A_115 = arith.mulf %mul3A_114, %add3A_109 : vector<1x128xf32>
      %select_n3A_116 = arith.select %ge3A_112, %add3A_109, %mul3A_115 : vector<1x128xi1>, vector<1x128xf32>
      %get3A_117 = arith.constant 0 : index
      %get3A_118 = arith.constant 0 : index
      %get3A_119 = vector.load %arg12[%get3A_117, %get3A_118] : memref<128x128xf32, #tpu.memory_space<vmem>>, vector<128x128xf32>
      %dot_general3A_120 = arith.constant dense<0.000000e+00> : vector<1x128xf32>
      %dot_general3A_121 = tpu.matmul %select_n3A_116, %get3A_119, %dot_general3A_120 {dimension_numbers = #tpu.dot_dimension_numbers<[1], [0], [0], [1], [0, 0, 1, 1], [], []>, transpose_lhs_hint = false} : vector<1x128xf32>, vector<128x128xf32>, vector<1x128xf32> -> vector<1x128xf32>
      %get3A_122 = arith.constant 0 : index
      %get3A_123 = arith.constant 0 : index
      %get3A_124 = vector.load %arg13[%get3A_122, %get3A_123] : memref<1x128xf32, #tpu.memory_space<vmem>>, vector<1x128xf32>
      %add3A_125 = arith.addf %dot_general3A_121, %get3A_124 : vector<1x128xf32>
      %swap3A = arith.constant 0 : index
      %swap3A_126 = arith.constant 0 : index
      %swap3A_127 = vector.load %arg14[%swap3A, %swap3A_126] : memref<1x128xf32, #tpu.memory_space<vmem>>, vector<1x128xf32>
      tpu.vector_store %arg14[%swap3A, %swap3A_126], %add3A_125 {strides = array<i32>} : memref<1x128xf32, #tpu.memory_space<vmem>>, vector<1x128xf32>,
    } else {
    }
    return
  }
  func.func @transform_0(%arg0: i32) -> (i32, i32, i32) {
    %c0_i32 = arith.constant 0 : i32
    %c0_i32_0 = arith.constant 0 : i32
    %c0_i32_1 = arith.constant 0 : i32
    return %c0_i32, %arg0, %c0_i32_0 : i32, i32, i32
  }
  func.func @transform_1(%arg0: i32) -> (i32, i32) {
    %c0_i32 = arith.constant 0 : i32
    %c0_i32_0 = arith.constant 0 : i32
    return %arg0, %c0_i32 : i32, i32
  }
  func.func @transform_2(%arg0: i32) -> (i32, i32) {
    %c0_i32 = arith.constant 0 : i32
    %c0_i32_0 = arith.constant 0 : i32
    return %arg0, %c0_i32 : i32, i32
  }
  func.func @transform_3(%arg0: i32) -> (i32, i32) {
    %c0_i32 = arith.constant 0 : i32
    %c0_i32_0 = arith.constant 0 : i32
    return %arg0, %c0_i32 : i32, i32
  }
  func.func @transform_4(%arg0: i32) -> (i32, i32) {
    %c0_i32 = arith.constant 0 : i32
    %c0_i32_0 = arith.constant 0 : i32
    %c0_i32_1 = arith.constant 0 : i32
    return %c0_i32, %c0_i32_0 : i32, i32
  }
  func.func @transform_5(%arg0: i32) -> (i32, i32) {
    %c0_i32 = arith.constant 0 : i32
    %c0_i32_0 = arith.constant 0 : i32
    %c0_i32_1 = arith.constant 0 : i32
    return %c0_i32, %c0_i32_0 : i32, i32
  }
  func.func @transform_6(%arg0: i32) -> (i32, i32) {
    %c0_i32 = arith.constant 0 : i32
    %c0_i32_0 = arith.constant 0 : i32
    %c0_i32_1 = arith.constant 0 : i32
    return %c0_i32, %c0_i32_0 : i32, i32
  }
  func.func @transform_7(%arg0: i32) -> (i32, i32) {
    %c0_i32 = arith.constant 0 : i32
    %c0_i32_0 = arith.constant 0 : i32
    %c0_i32_1 = arith.constant 0 : i32
    return %c0_i32, %c0_i32_0 : i32, i32
  }
  func.func @transform_8(%arg0: i32) -> (i32, i32) {
    %c0_i32 = arith.constant 0 : i32
    %c0_i32_0 = arith.constant 0 : i32
    %c0_i32_1 = arith.constant 0 : i32
    return %c0_i32, %c0_i32_0 : i32, i32
  }
  func.func @transform_9(%arg0: i32) -> (i32, i32) {
    %c0_i32 = arith.constant 0 : i32
    %c0_i32_0 = arith.constant 0 : i32
    %c0_i32_1 = arith.constant 0 : i32
    return %c0_i32, %c0_i32_0 : i32, i32
  }
  func.func @transform_10(%arg0: i32) -> (i32, i32) {
    %c0_i32 = arith.constant 0 : i32
    %c0_i32_0 = arith.constant 0 : i32
    %c0_i32_1 = arith.constant 0 : i32
    return %c0_i32, %c0_i32_0 : i32, i32
  }
  func.func @transform_11(%arg0: i32) -> (i32, i32) {
    %c0_i32 = arith.constant 0 : i32
    %c0_i32_0 = arith.constant 0 : i32
    %c0_i32_1 = arith.constant 0 : i32
    return %c0_i32, %c0_i32_0 : i32, i32
  }
  func.func @transform_12(%arg0: i32) -> (i32, i32) {
    %c0_i32 = arith.constant 0 : i32
    %c0_i32_0 = arith.constant 0 : i32
    %c0_i32_1 = arith.constant 0 : i32
    return %c0_i32, %c0_i32_0 : i32, i32
  }
  func.func @transform_13(%arg0: i32) -> (i32, i32) {
    %c0_i32 = arith.constant 0 : i32
    %c0_i32_0 = arith.constant 0 : i32
    %c0_i32_1 = arith.constant 0 : i32
    return %c0_i32, %c0_i32_0 : i32, i32
  }
}

</mosaic_0001>

<sc_bundles>
// kernel: kernel.10.cloned.1.call-start
scs
__scs_entry_jumppad:
0x0: {  	(pc) =	sbr.rel $0x88, $3  }
0x1: {  	(tag) =	ssettag $0x0;
	lr =	simm.s32 $0x1  }
0x2: {  	[smem:$0x3F89] =	sst lr;
	_ =	strace $0xD0000000  }
0x3: {  	_ = 	snop  }
0x4: {  	_ = 	snop  }
0x5: {  	_ = 	snop  }
0x6: {  	_ = 	snop  }
0x7: {  	_ = 	snop  }
__scs_overlays_trampoline_lowered:
0x8: {  	[smem:$0x3F98] =	sst s0  }
0x9: {  	[smem:$0x3F99] =	sst s1  }
0xa: {  	[smem:$0x3F9A] =	sst s2  }
0xb: {  	[smem:$0x3F9B] =	sst s3  }
0xc: {  	[smem:$0x3F9C] =	sst s4  }
0xd: {  	[smem:$0x3F9D] =	sst s5  }
0xe: {  	[smem:$0x3F9E] =	sst s6  }
0xf: {  	[smem:$0x3F9F] =	sst s7  }
0x10: {  	[smem:$0x3FA0] =	sst s8  }
0x11: {  	[smem:$0x3FA1] =	sst s9;
	s0 =	simm.s32 @!p0 $0x0  }
0x12: {  	s1 =	sld [smem:$0x3F87];
	s0 =	simm.s32 @p0 $0x1  }
0x13: {  	[smem:$0x3FA2] =	sst s0;
	s0 =	simm.s32 @!p1 $0x0  }
0x14: {  	s2 =	sld [smem:$0x3F86];
	s0 =	simm.s32 @p1 $0x1  }
0x15: {  	[smem:$0x3FA3] =	sst s0;
	s0 =	simm.s32 @!p2 $0x0  }
0x16: {  	s3 =	sld [smem:$0x3FDB];
	s0 =	simm.s32 @p2 $0x1  }
0x17: {  	s4 =	simm.s32 $0x1BF5;
	[smem:$0x3FA5] =	sst s0  }
0x18: {  	s0 =	sld [smem:$0x3F88];
	_ =	swait.ge [sflag:s4], $0x0  }
0x19: {  	s7 =	sld [smem:$0x3F89]  }
0x1a: {  	s8 =	sadd.s32 $0xFFFFE003, lr  }
0x1b: {  	s9 =	sadd.s32 $0xFFFFFEF7, lr;
	s5 =	simm.s32 $0xFFFFFFFF;
	p2 =	slt.u32 s8, $0xFFFFF086  }
0x1c: {  	p1 =	slt.u32 s9, $0xF7A;
	s5 =	simm.s32 @!p2 $0x0  }
0x1d: {  	s5 =	simm.s32 @p1 $0x1;
	p0 =	seq.s32 s7, s2  }
0x1e: {  	s7 =	smul.u32 @!p0 $0xF7A, s2;
	p2 =	seq.s32 @!p0 s5, $0x0  }
0x1f: {  	s9 =	smul.u32 $0xF7A, s1;
	s8 =	simm.s32 @!p0 $0x1BF5;
	p2 =	por !p2, p0  }
0x20: {  	[sflag:s8] =	ssyncset.s32 @!p0 $0xFFFFF086;
	s6 =	sadd.s32 @!p0 s3, s7;
	s7 =	simm.s32 @!p0 $0x108  }
0x21: {  	s3 =	sadd.s32 s3, s9;
	s6 =	sadd.s32 @!p0 $0x88, s6;
	s7 =	simm.s32 @p2 $0x1082  }
0x22: {  	[simem:s7], [sflag:s8] =	dma.local @!p0 [hbm:s6], $0xF7A  }
0x23: {  	s9 =	sor.u32 $0xD0000000, s2;
	s6 =	simm.s32 $0x108;
	_ =	swait.ge @!p0 [sflag:s8], $0x0  }
0x24: {  	s3 =	sadd.s32 $0x88, s3;
	s6 =	simm.s32 @!p1 $0x1082;
	[sflag:s4] =	ssyncset.s32 $0xFFFFF086  }
0x25: {  	[simem:s6], [sflag:s4] =	dma.local [hbm:s3], $0xF7A  }
0x26: {  	[smem:$0x3F89] =	sst s1;
	(tag) =	ssettag s2;
	_ =	strace s9  }
0x27: {  	s1 =	sld [smem:$0x3F99]  }
0x28: {  	s2 =	sld [smem:$0x3F9A]  }
0x29: {  	s4 =	sld [smem:$0x3F9C]  }
0x2a: {  	p0 =	seq.s32 s5, $0x0;
	s5 =	sld [smem:$0x3F9D]  }
0x2b: {  	s6 =	sld [smem:$0x3F9E]  }
0x2c: {  	s7 =	sld [smem:$0x3F9F]  }
0x2d: {  	s3 =	simm.s32 $0x108;
	s8 =	sld [smem:$0x3FA0]  }
0x2e: {  	s3 =	simm.s32 @!p0 $0x1082;
	s9 =	sld [smem:$0x3FA1]  }
0x2f: {  	lr =	sadd.s32 s0, s3;
	s0 =	sld [smem:$0x3F98]  }
0x30: {  	s3 =	sld [smem:$0x3F9B]  }
0x31: {  	[smem:$0x3FA4] =	sst s10  }
0x32: {  	s10 =	sld [smem:$0x3FA2];
	_ =	sdelay $0x3  }
0x33: {  	p0 =	seq.s32 s10, $0x1;
	s10 =	sld [smem:$0x3FA4];
	_ =	sdelay $0x3  }
0x34: {  	[smem:$0x3FA4] =	sst s10  }
0x35: {  	s10 =	sld [smem:$0x3FA3];
	_ =	sdelay $0x3  }
0x36: {  	p1 =	seq.s32 s10, $0x1;
	s10 =	sld [smem:$0x3FA4];
	_ =	sdelay $0x3  }
0x37: {  	[smem:$0x3FA4] =	sst s10  }
0x38: {  	s10 =	sld [smem:$0x3FA5]  }
0x39: {  	_ = 	snop;
	(pc) =	sbr.ind lr, $3  }
0x3a: {  	_ = 	snop  }
0x3b: {  	_ = 	snop  }
0x3c: {  	p2 =	seq.s32 s10, $0x1;
	s10 =	sld [smem:$0x3FA4]  }
0x3d: {  	_ =	shalt  }
0x3e: {  	_ =	shalt  }
0x3f: {  	_ =	shalt  }
0x40: {  	_ =	shalt  }
0x41: {  	_ =	shalt  }
0x42: {  	_ =	shalt  }
0x43: {  	_ =	shalt  }
0x44: {  	_ =	shalt  }
0x45: {  	_ =	shalt  }
0x46: {  	_ =	shalt  }
0x47: {  	_ =	shalt  }
0x48: {  	_ =	shalt  }
0x49: {  	_ =	shalt  }
0x4a: {  	_ =	shalt  }
0x4b: {  	_ =	shalt  }
0x4c: {  	_ =	shalt  }
0x4d: {  	_ =	shalt  }
0x4e: {  	_ =	shalt  }
0x4f: {  	_ =	shalt  }
0x50: {  	_ =	shalt  }
0x51: {  	_ =	shalt  }
0x52: {  	_ =	shalt  }
0x53: {  	_ =	shalt  }
0x54: {  	_ =	shalt  }
0x55: {  	_ =	shalt  }
0x56: {  	_ =	shalt  }
0x57: {  	_ =	shalt  }
0x58: {  	_ =	shalt  }
0x59: {  	_ =	shalt  }
0x5a: {  	_ =	shalt  }
0x5b: {  	_ =	shalt  }
0x5c: {  	_ =	shalt  }
0x5d: {  	_ =	shalt  }
0x5e: {  	_ =	shalt  }
0x5f: {  	_ =	shalt  }
0x60: {  	_ =	shalt  }
0x61: {  	_ =	shalt  }
0x62: {  	_ =	shalt  }
0x63: {  	_ =	shalt  }
0x64: {  	_ =	shalt  }
0x65: {  	_ =	shalt  }
0x66: {  	_ =	shalt  }
0x67: {  	_ =	shalt  }
0x68: {  	_ =	shalt  }
0x69: {  	_ =	shalt  }
0x6a: {  	_ =	shalt  }
0x6b: {  	_ =	shalt  }
0x6c: {  	_ =	shalt  }
0x6d: {  	_ =	shalt  }
0x6e: {  	_ =	shalt  }
0x6f: {  	_ =	shalt  }
0x70: {  	_ =	shalt  }
0x71: {  	_ =	shalt  }
0x72: {  	_ =	shalt  }
0x73: {  	_ =	shalt  }
0x74: {  	_ =	shalt  }
0x75: {  	_ =	shalt  }
0x76: {  	_ =	shalt  }
0x77: {  	_ =	shalt  }
0x78: {  	_ =	shalt  }
0x79: {  	_ =	shalt  }
0x7a: {  	_ =	shalt  }
0x7b: {  	_ =	shalt  }
0x7c: {  	_ =	shalt  }
0x7d: {  	_ =	shalt  }
0x7e: {  	_ =	shalt  }
0x7f: {  	_ =	shalt  }
0x80: {  	_ =	shalt  }
0x81: {  	_ =	shalt  }
0x82: {  	_ =	shalt  }
0x83: {  	_ =	shalt  }
0x84: {  	_ =	shalt  }
0x85: {  	_ =	shalt  }
0x86: {  	_ =	shalt  }
0x87: {  	_ =	shalt  }
.Lfunc_end0:
.L_simem_size_0:
called_computation_lowered:
.L_overlay_start_0:
0x88: {  	s2 =	sld [smem:$0x3FD9]  }
0x89: {  	s3 =	sld [smem:$0x3FFE];
	_ =	sdelay $0x1  }
0x8a: {  	s1 =	srdreg.scid  }
0x8b: {  	s0 =	sand.u32 $0x1, s1  }
0x8c: {  	s16 =	sshll.u32 s0, $0xA;
	s2 =	sadd.s32 s3, s2  }
0x8d: {  	s2 =	sadd.s32 s2, s16  }
0x8e: {  	[smem:$0x3FB0] =	sst s2  }
0x8f: {  	_ = 	snop  }
0x90: {  	(tm) =	ssettm $0x1  }
0x91: {  	s17 =	sld [smem:$0x3FFB];
	_ =	sdelay $0x3  }
0x92: {  	_ =	strace s17  }
0x93: {  	s2 =	sld [smem:$0x3FFC];
	_ =	sdelay $0x3  }
0x94: {  	_ =	strace s2  }
0x95: {  	s2 =	sld [smem:$0x3FFD];
	_ =	sdelay $0x3  }
0x96: {  	_ =	strace s2  }
0x97: {  	_ =	strace $0x8FFFFFFF  }
0x98: {  	s18 =	sld [smem:$0x3FDB];
	_ =	sdelay $0x1  }
0x99: {  	s19 =	simm.s32 $_scs_section_size  }
0x9a: {  	s4 =	simm.s32 $_size__tile_overlayer_lowered;
	s5 =	simm.s32 $_tile_overlayer_lowered  }
0x9b: {  	s22 =	simm.s32 $0x1BFF;
	s21 =	sshll.u32 s5, $0x1;
	s2 =	sadd.s32 s19, s18  }
0x9c: {  	s6 =	simm.s32 $0x0;
	s20 =	sshll.u32 s4, $0x1;
	s4 =	sadd.s32 s21, s2  }
0x9d: {  	[timem:s6], [sflag:s22] =	dma.local [hbm:s4], s20  }
0x9e: {  	_ =	swait.ge [sflag:s22], s20  }
0x9f: {  	s3 =	ssub.s32 $0x0, s20;
	[sflag:s22] =	ssyncset.done $0x0  }
0xa0: {  	[sflag:s22] =	ssyncadd.s32 s3;
	_ =	sdelay $0x1  }
0xa1: {  	s23 =	simm.s32 $0x1B8B  }
0xa2: {  	_ =	swait.ge [sflag:s23], $0x1  }
0xa3: {  	[sflag:s23] =	ssyncset.done $0x0  }
0xa4: {  	s25 =	simm.s32 $0x1B8E;
	s24 =	sld [smem:$0x3FFE];
	[sflag:s23] =	ssyncadd.s32 $0xFFFFFFFF  }
0xa5: {  	s26 =	simm.s32 $execute0_lowered;
	[smem:$0x3FD2] =	sst s25  }
0xa6: {  	s4 =	sshll.u32 s26, $0x1;
	_ =	strace $0x80000046;
	[dreg:$0x1] =	wrdreg $0xFFFFFFFF  }
0xa7: {  	s28 =	simm.s32 $_size_execute0_lowered;
	s2 =	sadd.s32 s2, s4;
	[dreg:$0x0] =	wrdreg $0x0  }
0xa8: {  	s4 =	sshll.u32 s28, $0x1;
	[dreg:$0x2] =	wrdreg s2  }
0xa9: {  	[dreg:$0x3] =	wrdreg s4  }
0xaa: {  	[dreg:$0x4] =	wrdreg $0xC0  }
0xab: {  	_ =	task [dreg:s6], $0x5FFFF  }
0xac: {  	[dreg:$0x1] =	wrdreg $0xFFFFFFFF  }
0xad: {  	[dreg:$0x0] =	wrdreg $0x60  }
0xae: {  	[dreg:$0x2] =	wrdreg s24  }
0xaf: {  	[dreg:$0x3] =	wrdreg $0x0  }
0xb0: {  	[dreg:$0x4] =	wrdreg $0x9  }
0xb1: {  	_ =	task.clear_ibuf [dreg:s6], $0x5FFFF;
	_ =	strace $0x90000046  }
0xb2: {  	s29 =	simm.s32 $0x9;
	_ =	strace $0x80000048  }
0xb3: {  	_ =	swait.ge [sflag:s29], $0x1  }
0xb4: {  	[sflag:s29] =	ssyncadd.s32 $0xFFFFFFFF  }
0xb5: {  	_ =	strace $0x90000048  }
0xb6: {  	_ =	sfence  }
0xb7: {  	s30 =	sld [smem:$0x0];
	_ =	sdelay $0x2  }
0xb8: {  	s31 =	sshll.u32 s1, $0xD;
	s1 =	sshrl.u32 s1, $0x2  }
0xb9: {  	s3 =	sand.u32 $0x4000, s31;
	s1 =	sadd.s32 s1, s30  }
0xba: {  	s0 =	sor.u32 s3, s0;
	s1 =	sshll.u32 s1, $0x11  }
0xbb: {  	s0 =	sor.u32 s1, s0  }
0xbc: {  	s0 =	sadd.s32 $0x8F2B, s0  }
0xbd: {  	[sflag:s0] =	ssyncadd.remote.s32 $0x1  }
0xbe: {  	_ =	sfence.sel $0xFFFF  }
0xbf: {  	[dreg:$0x0] =	wrdreg $0xFFFFFFFF;
	(pc) =	sbr.abs _section_cstart, $3  }
0xc0: {  	[dreg:$0x1] =	wrdreg $0xFFFFFFFF  }
0xc1: {  	_ =	task.clear_ibuf [dreg:s6], $0x2FFFF;
	_ =	strace $0x9FFFFFFF  }
0xc2: {  	(tm) =	ssettm $0x7FFFFFFF  }
0xc3: {  	_ =	shalt  }
tec
execute0_lowered:
.L_overlay_start_1:
0x0: {  	(tag) =	ssettag $0x1  }
0x1: {  	s5 =	rddreg [dreg:$0x0]  }
0x2: {  	s2 =	rddreg [dreg:$0x1]  }
0x3: {  	s0 =	rddreg [dreg:$0x2]  }
0x4: {  	s1 =	stileid.u32;
	s6 =	srdreg.scid;
	s3 =	simm.s32 $0x0  }
0x5: {  	s13 =	simm.s32 $0x13C00;
	s14 =	simm.s32 $0x80;
	s4 =	smul.u32 $0x9E0, s1  }
0x6: {  	s15 =	simm.s32 $0x0;
	s7 =	smul.u32 $0x13C00, s1;
	s6 =	sand.u32 $0x1, s6  }
0x7: {  	[smem:$0x7FF] =	sst s3;
	s10 =	smul.u32 $0x4F000, s1;
	s31 =	sshll.u32 s1, $0x6  }
0x8: {  	s8 =	smul.u32 $0x13C000, s6;
	_ =	strace $0x80000047;
	s30 =	ssub.s32 $0x2, s6  }
0x9: {  	s12 =	smul.u32 $0x4F0, s6;
	s6 =	sor.u32 $0x1C01, s31;
	s9 =	sadd.s32 s4, s5  }
0xa: {  	s28 =	sshrl.u32 s7, $0x3;
	s4 =	sadd.s32 $0x1A800, s5;
	s11 =	sshrl.u32 s30, $0x1  }
0xb: {  	s10 =	sshrl.u32 s10, $0x2;
	s7 =	sadd.s32 s7, s8;
	s29 =	sadd.s32 s28, s5  }
0xc: {  	s11 =	ssub.s32 s30, s11;
	s10 =	sadd.s32 s10, s2;
	s9 =	sadd.s32 s12, s9  }
0xd: {  	s12 =	simm.s32 $0x13C80;
	s7 =	sshrl.u32 s7, $0x3;
	s8 =	smax.u32 s11, $0x1  }
0xe: {  	s9 =	sadd.s32 $0x10A00, s9;
	s10 =	sshrl.u32 s10, $0x3;
	s7 =	sadd.s32 s7, s5  }
0xf: {  	s11 =	simm.s32 $0x1;
	s5 =	sadd.s32 $0x1B000, s29;
	s7 =	sadd.s32 $0x42800, s7  }
.LBB2_1:
0x10: {  	[spmem:s10], [sflag:s6] =	dma.local [hbm:s5], $0x2780  }
0x11: {  	_ =	swait.ge [sflag:s11], $0x2780  }
0x12: {  	[sflag:s11] =	ssyncset.done $0x0  }
0x13: {  	[sflag:s11] =	ssyncadd.s32 $0xFFFFD880  }
0x14: {  	[tilespmem:s12], [sflag:$0x1] =	stream.linear.gather [hbm4b:s4+s3], $0x4000, $0x38;
	[tilespmem:$0x17C80] =	vst v63  }
0x15: {  	_ =	swait.ge [sflag:s11], $0x4000  }
0x16: {  	[sflag:s11] =	ssyncset.done $0x0  }
0x17: {  	[sflag:s11] =	ssyncadd.s32 $0xFFFFC000  }
0x18: {  	s16 =	sadd.s32 $0x0, s9;
	[bflag:$0x0] =	sbarrier.arrive $0xFFFF  }
0x19: {  	[tilespmem:s13], [sflag:$0x1] =	stream.linear.gather [hbm4b:s16+s3], $0x80, $0x38;
	[tilespmem:$0x17C80] =	vst v63  }
0x1a: {  	_ =	swait.ge [sflag:s11], $0x80  }
0x1b: {  	[sflag:s11] =	ssyncset.done $0x0  }
0x1c: {  	[sflag:s11] =	ssyncadd.s32 $0xFFFFFF80  }
0x1d: {  	[spmem:s2] =	stream.indirect.scatter.add.f32 [tilespmem:s12], [sflag:$0x1], $0x80, s13, s14, $0xb8;
	[tilespmem:$0x17C80] =	vst v63  }
0x1e: {  	_ =	swait.ge [sflag:s11], $0x4000  }
0x1f: {  	s17 =	simm.s32 $0x20;
	s16 =	simm.s32 $0x10;
	[sflag:s11] =	ssyncset.done $0x0  }
.LBB2_2:
0x20: {  	s18 =	sadd.s32 s16, s9  }
0x21: {  	[sflag:s11] =	ssyncadd.s32 $0xFFFFC000;
	s16 =	smov.u32 s17;
	s19 =	sadd.s32 $0x10, s17  }
0x22: {  	[tilespmem:s13], [sflag:$0x1] =	stream.linear.gather [hbm4b:s18+s3], $0x80, $0x38;
	[tilespmem:$0x17C80] =	vst v63  }
0x23: {  	p0 =	sne.s32 s17, $0x4E0;
	_ =	swait.ge [sflag:s11], $0x80  }
.Ltmp0:
0x24: {  	[sflag:s11] =	ssyncset.done $0x0;
	(pc) =	sbr.rel @p0 .LBB2_2-.Ltmp0, $4  }
0x25: {  	[sflag:s11] =	ssyncadd.s32 $0xFFFFFF80  }
0x26: {  	[spmem:s2] =	stream.indirect.scatter.add.f32 [tilespmem:s12], [sflag:$0x1], $0x80, s13, s14, $0xb8;
	[tilespmem:$0x17C80] =	vst v63  }
0x27: {  	_ =	swait.ge [sflag:s11], $0x4000  }
0x28: {  	s17 =	smov.u32 s19;
	[sflag:s11] =	ssyncset.done $0x0  }
0x29: {  	s16 =	sadd.s32 s16, s9;
	[sflag:s11] =	ssyncadd.s32 $0xFFFFC000  }
0x2a: {  	[tilespmem:s13], [sflag:$0x1] =	stream.linear.gather [hbm4b:s16+s3], $0x80, $0x38;
	[tilespmem:$0x17C80] =	vst v63  }
0x2b: {  	_ =	swait.ge [sflag:s11], $0x80  }
0x2c: {  	[sflag:s11] =	ssyncset.done $0x0  }
0x2d: {  	[sflag:s11] =	ssyncadd.s32 $0xFFFFFF80  }
0x2e: {  	[spmem:s2] =	stream.indirect.scatter.add.f32 [tilespmem:s12], [sflag:$0x1], $0x80, s13, s14, $0xb8;
	[tilespmem:$0x17C80] =	vst v63  }
0x2f: {  	_ =	swait.ge [sflag:s11], $0x4000  }
0x30: {  	s15 =	sadd.s32 $0x1, s15;
	[sflag:s11] =	ssyncset.done $0x0  }
0x31: {  	p0 =	sne.s32 s15, s8;
	[sflag:s11] =	ssyncadd.s32 $0xFFFFC000  }
.Ltmp1:
0x32: {  	[bflag:$0x0] =	sbarrier.arrive $0xFFFF;
	(pc) =	sbr.rel @p0 .LBB2_1-.Ltmp1, $4  }
0x33: {  	[hbm:s7], [sflag:s6] =	dma.local [spmem:s10], $0x2780  }
0x34: {  	_ =	swait.ge [sflag:s11], $0x2780  }
0x35: {  	[sflag:s11] =	ssyncset.done $0x0  }
0x36: {  	[sflag:s11] =	ssyncadd.s32 $0xFFFFD880  }
0x37: {  	_ =	sfence.sel $0x180000  }
0x38: {  	[bflag:$0x0] =	sbarrier.arrive $0xFFFF  }
0x39: {  	p0 =	sne.s32 s1, $0x0;
	_ =	strace $0x90000047  }
0x3a: {  	s0 =	sadd.s32 @!p0 $0x100000, s0;
	[bflag:$0x2] =	sbarrier.arrive $0xFFFF  }
0x3b: {  	[sflag:s0] =	ssyncadd.tile.s32 @!p0 $0x1;
	_ =	shalt  }
.Lfunc_end2:
_tile_overlayer_lowered:
.L_overlay_start_2:
0x3c: {  	(tag) =	ssettag $0x2  }
0x3d: {  	s0 =	rddreg [dreg:$0x0];
	s2 =	stileid.u32  }
0x3e: {  	s1 =	rddreg [dreg:$0x1];
	p0 =	sne.s32 s2, $0x0  }
0x3f: {  	s3 =	rddreg [dreg:$0x2];
	[bflag:$0x3] =	sbarrier.arrive $0xFFFF;
	s2 =	simm.s32 @!p0 $0x1C01  }
0x40: {  	[timem:s3], [sflag:s2] =	dma.local @!p0 [hbm:s0], s1  }
0x41: {  	s0 =	simm.s32 @!p0 $0x1  }
0x42: {  	_ =	swait.ge @!p0 [sflag:s0], s1  }
0x43: {  	s1 =	ssub.s32 @!p0 $0x0, s1;
	[sflag:s0] =	ssyncset.done @!p0 $0x0  }
0x44: {  	[sflag:s0] =	ssyncadd.s32 @!p0 s1  }
0x45: {  	[bflag:$0x3] =	sbarrier.arrive $0xFFFF  }
0x46: {  	_ =	shalt  }

// kernel: kernel.13.cloned.1.call-start
scs
__scs_entry_jumppad:
0x0: {  	(pc) =	sbr.rel $0x88, $3  }
0x1: {  	(tag) =	ssettag $0x0;
	lr =	simm.s32 $0x1  }
0x2: {  	[smem:$0x3F89] =	sst lr;
	_ =	strace $0xD0000000  }
0x3: {  	_ = 	snop  }
0x4: {  	_ = 	snop  }
0x5: {  	_ = 	snop  }
0x6: {  	_ = 	snop  }
0x7: {  	_ = 	snop  }
__scs_overlays_trampoline_lowered:
0x8: {  	[smem:$0x3F98] =	sst s0  }
0x9: {  	[smem:$0x3F99] =	sst s1  }
0xa: {  	[smem:$0x3F9A] =	sst s2  }
0xb: {  	[smem:$0x3F9B] =	sst s3  }
0xc: {  	[smem:$0x3F9C] =	sst s4  }
0xd: {  	[smem:$0x3F9D] =	sst s5  }
0xe: {  	[smem:$0x3F9E] =	sst s6  }
0xf: {  	[smem:$0x3F9F] =	sst s7  }
0x10: {  	[smem:$0x3FA0] =	sst s8  }
0x11: {  	[smem:$0x3FA1] =	sst s9;
	s0 =	simm.s32 @!p0 $0x0  }
0x12: {  	s1 =	sld [smem:$0x3F87];
	s0 =	simm.s32 @p0 $0x1  }
0x13: {  	[smem:$0x3FA2] =	sst s0;
	s0 =	simm.s32 @!p1 $0x0  }
0x14: {  	s2 =	sld [smem:$0x3F86];
	s0 =	simm.s32 @p1 $0x1  }
0x15: {  	[smem:$0x3FA3] =	sst s0;
	s0 =	simm.s32 @!p2 $0x0  }
0x16: {  	s3 =	sld [smem:$0x3FDB];
	s0 =	simm.s32 @p2 $0x1  }
0x17: {  	s4 =	simm.s32 $0x1BF5;
	[smem:$0x3FA5] =	sst s0  }
0x18: {  	s0 =	sld [smem:$0x3F88];
	_ =	swait.ge [sflag:s4], $0x0  }
0x19: {  	s7 =	sld [smem:$0x3F89]  }
0x1a: {  	s8 =	sadd.s32 $0xFFFFE003, lr  }
0x1b: {  	s9 =	sadd.s32 $0xFFFFFEF7, lr;
	s5 =	simm.s32 $0xFFFFFFFF;
	p2 =	slt.u32 s8, $0xFFFFF086  }
0x1c: {  	p1 =	slt.u32 s9, $0xF7A;
	s5 =	simm.s32 @!p2 $0x0  }
0x1d: {  	s5 =	simm.s32 @p1 $0x1;
	p0 =	seq.s32 s7, s2  }
0x1e: {  	s7 =	smul.u32 @!p0 $0xF7A, s2;
	p2 =	seq.s32 @!p0 s5, $0x0  }
0x1f: {  	s9 =	smul.u32 $0xF7A, s1;
	s8 =	simm.s32 @!p0 $0x1BF5;
	p2 =	por !p2, p0  }
0x20: {  	[sflag:s8] =	ssyncset.s32 @!p0 $0xFFFFF086;
	s6 =	sadd.s32 @!p0 s3, s7;
	s7 =	simm.s32 @!p0 $0x108  }
0x21: {  	s3 =	sadd.s32 s3, s9;
	s6 =	sadd.s32 @!p0 $0x88, s6;
	s7 =	simm.s32 @p2 $0x1082  }
0x22: {  	[simem:s7], [sflag:s8] =	dma.local @!p0 [hbm:s6], $0xF7A  }
0x23: {  	s9 =	sor.u32 $0xD0000000, s2;
	s6 =	simm.s32 $0x108;
	_ =	swait.ge @!p0 [sflag:s8], $0x0  }
0x24: {  	s3 =	sadd.s32 $0x88, s3;
	s6 =	simm.s32 @!p1 $0x1082;
	[sflag:s4] =	ssyncset.s32 $0xFFFFF086  }
0x25: {  	[simem:s6], [sflag:s4] =	dma.local [hbm:s3], $0xF7A  }
0x26: {  	[smem:$0x3F89] =	sst s1;
	(tag) =	ssettag s2;
	_ =	strace s9  }
0x27: {  	s1 =	sld [smem:$0x3F99]  }
0x28: {  	s2 =	sld [smem:$0x3F9A]  }
0x29: {  	s4 =	sld [smem:$0x3F9C]  }
0x2a: {  	p0 =	seq.s32 s5, $0x0;
	s5 =	sld [smem:$0x3F9D]  }
0x2b: {  	s6 =	sld [smem:$0x3F9E]  }
0x2c: {  	s7 =	sld [smem:$0x3F9F]  }
0x2d: {  	s3 =	simm.s32 $0x108;
	s8 =	sld [smem:$0x3FA0]  }
0x2e: {  	s3 =	simm.s32 @!p0 $0x1082;
	s9 =	sld [smem:$0x3FA1]  }
0x2f: {  	lr =	sadd.s32 s0, s3;
	s0 =	sld [smem:$0x3F98]  }
0x30: {  	s3 =	sld [smem:$0x3F9B]  }
0x31: {  	[smem:$0x3FA4] =	sst s10  }
0x32: {  	s10 =	sld [smem:$0x3FA2];
	_ =	sdelay $0x3  }
0x33: {  	p0 =	seq.s32 s10, $0x1;
	s10 =	sld [smem:$0x3FA4];
	_ =	sdelay $0x3  }
0x34: {  	[smem:$0x3FA4] =	sst s10  }
0x35: {  	s10 =	sld [smem:$0x3FA3];
	_ =	sdelay $0x3  }
0x36: {  	p1 =	seq.s32 s10, $0x1;
	s10 =	sld [smem:$0x3FA4];
	_ =	sdelay $0x3  }
0x37: {  	[smem:$0x3FA4] =	sst s10  }
0x38: {  	s10 =	sld [smem:$0x3FA5]  }
0x39: {  	_ = 	snop;
	(pc) =	sbr.ind lr, $3  }
0x3a: {  	_ = 	snop  }
0x3b: {  	_ = 	snop  }
0x3c: {  	p2 =	seq.s32 s10, $0x1;
	s10 =	sld [smem:$0x3FA4]  }
0x3d: {  	_ =	shalt  }
0x3e: {  	_ =	shalt  }
0x3f: {  	_ =	shalt  }
0x40: {  	_ =	shalt  }
0x41: {  	_ =	shalt  }
0x42: {  	_ =	shalt  }
0x43: {  	_ =	shalt  }
0x44: {  	_ =	shalt  }
0x45: {  	_ =	shalt  }
0x46: {  	_ =	shalt  }
0x47: {  	_ =	shalt  }
0x48: {  	_ =	shalt  }
0x49: {  	_ =	shalt  }
0x4a: {  	_ =	shalt  }
0x4b: {  	_ =	shalt  }
0x4c: {  	_ =	shalt  }
0x4d: {  	_ =	shalt  }
0x4e: {  	_ =	shalt  }
0x4f: {  	_ =	shalt  }
0x50: {  	_ =	shalt  }
0x51: {  	_ =	shalt  }
0x52: {  	_ =	shalt  }
0x53: {  	_ =	shalt  }
0x54: {  	_ =	shalt  }
0x55: {  	_ =	shalt  }
0x56: {  	_ =	shalt  }
0x57: {  	_ =	shalt  }
0x58: {  	_ =	shalt  }
0x59: {  	_ =	shalt  }
0x5a: {  	_ =	shalt  }
0x5b: {  	_ =	shalt  }
0x5c: {  	_ =	shalt  }
0x5d: {  	_ =	shalt  }
0x5e: {  	_ =	shalt  }
0x5f: {  	_ =	shalt  }
0x60: {  	_ =	shalt  }
0x61: {  	_ =	shalt  }
0x62: {  	_ =	shalt  }
0x63: {  	_ =	shalt  }
0x64: {  	_ =	shalt  }
0x65: {  	_ =	shalt  }
0x66: {  	_ =	shalt  }
0x67: {  	_ =	shalt  }
0x68: {  	_ =	shalt  }
0x69: {  	_ =	shalt  }
0x6a: {  	_ =	shalt  }
0x6b: {  	_ =	shalt  }
0x6c: {  	_ =	shalt  }
0x6d: {  	_ =	shalt  }
0x6e: {  	_ =	shalt  }
0x6f: {  	_ =	shalt  }
0x70: {  	_ =	shalt  }
0x71: {  	_ =	shalt  }
0x72: {  	_ =	shalt  }
0x73: {  	_ =	shalt  }
0x74: {  	_ =	shalt  }
0x75: {  	_ =	shalt  }
0x76: {  	_ =	shalt  }
0x77: {  	_ =	shalt  }
0x78: {  	_ =	shalt  }
0x79: {  	_ =	shalt  }
0x7a: {  	_ =	shalt  }
0x7b: {  	_ =	shalt  }
0x7c: {  	_ =	shalt  }
0x7d: {  	_ =	shalt  }
0x7e: {  	_ =	shalt  }
0x7f: {  	_ =	shalt  }
0x80: {  	_ =	shalt  }
0x81: {  	_ =	shalt  }
0x82: {  	_ =	shalt  }
0x83: {  	_ =	shalt  }
0x84: {  	_ =	shalt  }
0x85: {  	_ =	shalt  }
0x86: {  	_ =	shalt  }
0x87: {  	_ =	shalt  }
.Lfunc_end0:
.L_simem_size_0:
called_computation.1_lowered:
.L_overlay_start_0:
0x88: {  	s2 =	sld [smem:$0x3FD9]  }
0x89: {  	s3 =	sld [smem:$0x3FFE];
	_ =	sdelay $0x1  }
0x8a: {  	s1 =	srdreg.scid  }
0x8b: {  	s0 =	sand.u32 $0x1, s1  }
0x8c: {  	s16 =	sshll.u32 s0, $0xA;
	s2 =	sadd.s32 s3, s2  }
0x8d: {  	s2 =	sadd.s32 s2, s16  }
0x8e: {  	[smem:$0x3FB0] =	sst s2  }
0x8f: {  	_ = 	snop  }
0x90: {  	(tm) =	ssettm $0x1  }
0x91: {  	s17 =	sld [smem:$0x3FFB];
	_ =	sdelay $0x3  }
0x92: {  	_ =	strace s17  }
0x93: {  	s2 =	sld [smem:$0x3FFC];
	_ =	sdelay $0x3  }
0x94: {  	_ =	strace s2  }
0x95: {  	s2 =	sld [smem:$0x3FFD];
	_ =	sdelay $0x3  }
0x96: {  	_ =	strace s2  }
0x97: {  	_ =	strace $0x8FFFFFFF  }
0x98: {  	s18 =	sld [smem:$0x3FDB];
	_ =	sdelay $0x1  }
0x99: {  	s19 =	simm.s32 $_scs_section_size  }
0x9a: {  	s4 =	simm.s32 $_size__tile_overlayer_lowered;
	s5 =	simm.s32 $_tile_overlayer_lowered  }
0x9b: {  	s22 =	simm.s32 $0x1BFF;
	s21 =	sshll.u32 s5, $0x1;
	s2 =	sadd.s32 s19, s18  }
0x9c: {  	s6 =	simm.s32 $0x0;
	s20 =	sshll.u32 s4, $0x1;
	s4 =	sadd.s32 s21, s2  }
0x9d: {  	[timem:s6], [sflag:s22] =	dma.local [hbm:s4], s20  }
0x9e: {  	_ =	swait.ge [sflag:s22], s20  }
0x9f: {  	s3 =	ssub.s32 $0x0, s20;
	[sflag:s22] =	ssyncset.done $0x0  }
0xa0: {  	[sflag:s22] =	ssyncadd.s32 s3;
	_ =	sdelay $0x1  }
0xa1: {  	s23 =	simm.s32 $0x1B8B  }
0xa2: {  	_ =	swait.ge [sflag:s23], $0x1  }
0xa3: {  	[sflag:s23] =	ssyncset.done $0x0  }
0xa4: {  	s25 =	simm.s32 $0x1B8E;
	s24 =	sld [smem:$0x3FFE];
	[sflag:s23] =	ssyncadd.s32 $0xFFFFFFFF  }
0xa5: {  	s26 =	simm.s32 $execute0_lowered;
	[smem:$0x3FD2] =	sst s25  }
0xa6: {  	s4 =	sshll.u32 s26, $0x1;
	_ =	strace $0x80000049;
	[dreg:$0x1] =	wrdreg $0xFFFFFFFF  }
0xa7: {  	s28 =	simm.s32 $_size_execute0_lowered;
	s2 =	sadd.s32 s2, s4;
	[dreg:$0x0] =	wrdreg $0x0  }
0xa8: {  	s4 =	sshll.u32 s28, $0x1;
	[dreg:$0x2] =	wrdreg s2  }
0xa9: {  	[dreg:$0x3] =	wrdreg s4  }
0xaa: {  	[dreg:$0x4] =	wrdreg $0xC0  }
0xab: {  	_ =	task [dreg:s6], $0x5FFFF  }
0xac: {  	[dreg:$0x1] =	wrdreg $0xFFFFFFFF  }
0xad: {  	[dreg:$0x0] =	wrdreg $0x60  }
0xae: {  	[dreg:$0x2] =	wrdreg s24  }
0xaf: {  	[dreg:$0x3] =	wrdreg $0x0  }
0xb0: {  	[dreg:$0x4] =	wrdreg $0x9  }
0xb1: {  	_ =	task.clear_ibuf [dreg:s6], $0x5FFFF;
	_ =	strace $0x90000049  }
0xb2: {  	s29 =	simm.s32 $0x9;
	_ =	strace $0x8000004B  }
0xb3: {  	_ =	swait.ge [sflag:s29], $0x1  }
0xb4: {  	[sflag:s29] =	ssyncadd.s32 $0xFFFFFFFF  }
0xb5: {  	_ =	strace $0x9000004B  }
0xb6: {  	_ =	sfence  }
0xb7: {  	s30 =	sld [smem:$0x0];
	_ =	sdelay $0x2  }
0xb8: {  	s31 =	sshll.u32 s1, $0xD;
	s1 =	sshrl.u32 s1, $0x2  }
0xb9: {  	s3 =	sand.u32 $0x4000, s31;
	s1 =	sadd.s32 s1, s30  }
0xba: {  	s0 =	sor.u32 s3, s0;
	s1 =	sshll.u32 s1, $0x11  }
0xbb: {  	s0 =	sor.u32 s1, s0  }
0xbc: {  	s0 =	sadd.s32 $0x8F2B, s0  }
0xbd: {  	[sflag:s0] =	ssyncadd.remote.s32 $0x1  }
0xbe: {  	_ =	sfence.sel $0xFFFF  }
0xbf: {  	[dreg:$0x0] =	wrdreg $0xFFFFFFFF;
	(pc) =	sbr.abs _section_cstart, $3  }
0xc0: {  	[dreg:$0x1] =	wrdreg $0xFFFFFFFF  }
0xc1: {  	_ =	task.clear_ibuf [dreg:s6], $0x2FFFF;
	_ =	strace $0x9FFFFFFF  }
0xc2: {  	(tm) =	ssettm $0x7FFFFFFF  }
0xc3: {  	_ =	shalt  }
tec
execute0_lowered:
.L_overlay_start_1:
0x0: {  	(tag) =	ssettag $0x1  }
0x1: {  	s5 =	rddreg [dreg:$0x0]  }
0x2: {  	s2 =	rddreg [dreg:$0x1]  }
0x3: {  	s0 =	rddreg [dreg:$0x2]  }
0x4: {  	s1 =	stileid.u32;
	s4 =	srdreg.scid;
	s3 =	simm.s32 $0x0  }
0x5: {  	s14 =	simm.s32 $0x13C80;
	s15 =	simm.s32 $0x80;
	s16 =	simm.s32 $0x13D00  }
0x6: {  	s17 =	simm.s32 $0x1;
	s18 =	simm.s32 $0x0;
	s6 =	smul.u32 $0x13C00, s1  }
0x7: {  	s7 =	sand.u32 $0x1, s4;
	[smem:$0x7FF] =	sst s3;
	s10 =	smul.u32 $0x9E0, s1  }
0x8: {  	s4 =	sadd.s32 $0x42800, s5;
	s28 =	smul.u32 $0x4F000, s1;
	s31 =	sshll.u32 s1, $0x6  }
0x9: {  	s8 =	smul.u32 $0x13C000, s7;
	_ =	strace $0x8000004A;
	s29 =	ssub.s32 $0x2, s7  }
0xa: {  	s7 =	smul.u32 $0x4F0, s7;
	s9 =	sshrl.u32 s6, $0x3;
	s10 =	sadd.s32 s10, s5  }
0xb: {  	s30 =	sshrl.u32 s29, $0x1;
	s6 =	sadd.s32 s6, s8;
	s26 =	sadd.s32 s9, s5  }
0xc: {  	s9 =	sshrl.u32 s28, $0x2;
	s12 =	ssub.s32 s29, s30;
	s10 =	sadd.s32 s7, s10  }
0xd: {  	s6 =	sshrl.u32 s6, $0x3;
	s13 =	sadd.s32 s9, s2;
	s8 =	smax.u32 s12, $0x1  }
0xe: {  	s9 =	sadd.s32 $0x6C00, s10;
	s10 =	sadd.s32 $0x10A00, s10;
	s12 =	simm.s32 $0x2  }
0xf: {  	s11 =	sadd.s32 s6, s5;
	s5 =	sadd.s32 $0x1B000, s26;
	s6 =	sor.u32 $0x1C02, s31  }
0x10: {  	s7 =	sadd.s32 $0x90C00, s11;
	s11 =	sshrl.u32 s13, $0x3;
	s13 =	simm.s32 $0x13C00  }
.LBB2_1:
0x11: {  	[spmem:s11], [sflag:s6] =	dma.local [hbm:s5], $0x2780  }
0x12: {  	_ =	swait.ge [sflag:s12], $0x2780  }
0x13: {  	[sflag:s12] =	ssyncset.done $0x0  }
0x14: {  	[sflag:s12] =	ssyncadd.s32 $0xFFFFD880  }
0x15: {  	s19 =	sadd.s32 $0x0, s9;
	[bflag:$0x0] =	sbarrier.arrive $0xFFFF  }
0x16: {  	[tilespmem:s13], [sflag:$0x2] =	stream.linear.gather [hbm4b:s19+s3], $0x80, $0x38;
	[tilespmem:$0x17D00] =	vst v63  }
0x17: {  	_ =	swait.ge [sflag:s12], $0x80  }
0x18: {  	[sflag:s12] =	ssyncset.done $0x0  }
0x19: {  	s31 =	sadd.s32 $0x0, s10;
	[sflag:s12] =	ssyncadd.s32 $0xFFFFFF80  }
0x1a: {  	[tilespmem:s14], [sflag:$0x2] =	stream.linear.gather [hbm4b:s31+s3], $0x80, $0x38;
	[tilespmem:$0x17D00] =	vst v63  }
0x1b: {  	_ =	swait.ge [sflag:s12], $0x80  }
0x1c: {  	[sflag:s12] =	ssyncset.done $0x0  }
0x1d: {  	[sflag:s12] =	ssyncadd.s32 $0xFFFFFF80  }
0x1e: {  	[tilespmem:s16], [sflag:$0x1] =	stream.indirect.gather [hbm4b:s4+s15], $0x80, s13, s15, $0xb8;
	[tilespmem:$0x17D00] =	vst v63  }
0x1f: {  	_ =	swait.ge [sflag:s17], $0x4000  }
0x20: {  	[sflag:s17] =	ssyncset.done $0x0  }
0x21: {  	[sflag:s17] =	ssyncadd.s32 $0xFFFFC000  }
0x22: {  	[spmem:s2] =	stream.indirect.scatter.add.f32 [tilespmem:s16], [sflag:$0x2], $0x80, s14, s15, $0xb8;
	[tilespmem:$0x17D00] =	vst v63  }
0x23: {  	_ =	swait.ge [sflag:s12], $0x4000  }
0x24: {  	s20 =	simm.s32 $0x20;
	s19 =	simm.s32 $0x10;
	[sflag:s12] =	ssyncset.done $0x0  }
.LBB2_2:
0x25: {  	s21 =	sadd.s32 s19, s9  }
0x26: {  	[sflag:s12] =	ssyncadd.s32 $0xFFFFC000;
	s22 =	smov.u32 s20;
	s23 =	sadd.s32 $0x10, s20  }
0x27: {  	[tilespmem:s13], [sflag:$0x2] =	stream.linear.gather [hbm4b:s21+s3], $0x80, $0x38;
	[tilespmem:$0x17D00] =	vst v63  }
0x28: {  	p0 =	sne.s32 s20, $0x4E0;
	_ =	swait.ge [sflag:s12], $0x80  }
0x29: {  	[sflag:s12] =	ssyncset.done $0x0  }
0x2a: {  	s20 =	sadd.s32 s19, s10;
	s19 =	smov.u32 s22;
	[sflag:s12] =	ssyncadd.s32 $0xFFFFFF80  }
0x2b: {  	[tilespmem:s14], [sflag:$0x2] =	stream.linear.gather [hbm4b:s20+s3], $0x80, $0x38;
	[tilespmem:$0x17D00] =	vst v63  }
0x2c: {  	_ =	swait.ge [sflag:s12], $0x80  }
0x2d: {  	[sflag:s12] =	ssyncset.done $0x0  }
0x2e: {  	[sflag:s12] =	ssyncadd.s32 $0xFFFFFF80  }
0x2f: {  	[tilespmem:s16], [sflag:$0x1] =	stream.indirect.gather [hbm4b:s4+s15], $0x80, s13, s15, $0xb8;
	[tilespmem:$0x17D00] =	vst v63  }
0x30: {  	_ =	swait.ge [sflag:s17], $0x4000  }
.Ltmp0:
0x31: {  	[sflag:s17] =	ssyncset.done $0x0;
	(pc) =	sbr.rel @p0 .LBB2_2-.Ltmp0, $4  }
0x32: {  	[sflag:s17] =	ssyncadd.s32 $0xFFFFC000  }
0x33: {  	[spmem:s2] =	stream.indirect.scatter.add.f32 [tilespmem:s16], [sflag:$0x2], $0x80, s14, s15, $0xb8;
	[tilespmem:$0x17D00] =	vst v63  }
0x34: {  	_ =	swait.ge [sflag:s12], $0x4000  }
0x35: {  	s20 =	smov.u32 s23;
	[sflag:s12] =	ssyncset.done $0x0  }
0x36: {  	s20 =	sadd.s32 s19, s9;
	[sflag:s12] =	ssyncadd.s32 $0xFFFFC000  }
0x37: {  	[tilespmem:s13], [sflag:$0x2] =	stream.linear.gather [hbm4b:s20+s3], $0x80, $0x38;
	[tilespmem:$0x17D00] =	vst v63  }
0x38: {  	_ =	swait.ge [sflag:s12], $0x80  }
0x39: {  	[sflag:s12] =	ssyncset.done $0x0  }
0x3a: {  	s31 =	sadd.s32 s19, s10;
	[sflag:s12] =	ssyncadd.s32 $0xFFFFFF80  }
0x3b: {  	[tilespmem:s14], [sflag:$0x2] =	stream.linear.gather [hbm4b:s31+s3], $0x80, $0x38;
	[tilespmem:$0x17D00] =	vst v63  }
0x3c: {  	_ =	swait.ge [sflag:s12], $0x80  }
0x3d: {  	[sflag:s12] =	ssyncset.done $0x0  }
0x3e: {  	[sflag:s12] =	ssyncadd.s32 $0xFFFFFF80  }
0x3f: {  	[tilespmem:s16], [sflag:$0x1] =	stream.indirect.gather [hbm4b:s4+s15], $0x80, s13, s15, $0xb8;
	[tilespmem:$0x17D00] =	vst v63  }
0x40: {  	_ =	swait.ge [sflag:s17], $0x4000  }
0x41: {  	[sflag:s17] =	ssyncset.done $0x0  }
0x42: {  	[sflag:s17] =	ssyncadd.s32 $0xFFFFC000  }
0x43: {  	[spmem:s2] =	stream.indirect.scatter.add.f32 [tilespmem:s16], [sflag:$0x2], $0x80, s14, s15, $0xb8;
	[tilespmem:$0x17D00] =	vst v63  }
0x44: {  	_ =	swait.ge [sflag:s12], $0x4000  }
0x45: {  	s18 =	sadd.s32 $0x1, s18;
	[sflag:s12] =	ssyncset.done $0x0  }
0x46: {  	p0 =	sne.s32 s18, s8;
	[sflag:s12] =	ssyncadd.s32 $0xFFFFC000  }
.Ltmp1:
0x47: {  	[bflag:$0x0] =	sbarrier.arrive $0xFFFF;
	(pc) =	sbr.rel @p0 .LBB2_1-.Ltmp1, $4  }
0x48: {  	[hbm:s7], [sflag:s6] =	dma.local [spmem:s11], $0x2780  }
0x49: {  	_ =	swait.ge [sflag:s12], $0x2780  }
0x4a: {  	[sflag:s12] =	ssyncset.done $0x0  }
0x4b: {  	[sflag:s12] =	ssyncadd.s32 $0xFFFFD880  }
0x4c: {  	_ =	sfence.sel $0x180000  }
0x4d: {  	[bflag:$0x0] =	sbarrier.arrive $0xFFFF  }
0x4e: {  	p0 =	sne.s32 s1, $0x0;
	_ =	strace $0x9000004A  }
0x4f: {  	s0 =	sadd.s32 @!p0 $0x100000, s0;
	[bflag:$0x2] =	sbarrier.arrive $0xFFFF  }
0x50: {  	[sflag:s0] =	ssyncadd.tile.s32 @!p0 $0x1;
	_ =	shalt  }
.Lfunc_end2:
_tile_overlayer_lowered:
.L_overlay_start_2:
0x51: {  	(tag) =	ssettag $0x2  }
0x52: {  	s0 =	rddreg [dreg:$0x0];
	s2 =	stileid.u32  }
0x53: {  	s1 =	rddreg [dreg:$0x1];
	p0 =	sne.s32 s2, $0x0  }
0x54: {  	s3 =	rddreg [dreg:$0x2];
	[bflag:$0x3] =	sbarrier.arrive $0xFFFF;
	s2 =	simm.s32 @!p0 $0x1C02  }
0x55: {  	[timem:s3], [sflag:s2] =	dma.local @!p0 [hbm:s0], s1  }
0x56: {  	s0 =	simm.s32 @!p0 $0x2  }
0x57: {  	_ =	swait.ge @!p0 [sflag:s0], s1  }
0x58: {  	s1 =	ssub.s32 @!p0 $0x0, s1;
	[sflag:s0] =	ssyncset.done @!p0 $0x0  }
0x59: {  	[sflag:s0] =	ssyncadd.s32 @!p0 s1  }
0x5a: {  	[bflag:$0x3] =	sbarrier.arrive $0xFFFF  }
0x5b: {  	_ =	shalt  }

// kernel: kernel.16.cloned.1.call-start
scs
__scs_entry_jumppad:
0x0: {  	(pc) =	sbr.rel $0x88, $3  }
0x1: {  	(tag) =	ssettag $0x0;
	lr =	simm.s32 $0x1  }
0x2: {  	[smem:$0x3F89] =	sst lr;
	_ =	strace $0xD0000000  }
0x3: {  	_ = 	snop  }
0x4: {  	_ = 	snop  }
0x5: {  	_ = 	snop  }
0x6: {  	_ = 	snop  }
0x7: {  	_ = 	snop  }
__scs_overlays_trampoline_lowered:
0x8: {  	[smem:$0x3F98] =	sst s0  }
0x9: {  	[smem:$0x3F99] =	sst s1  }
0xa: {  	[smem:$0x3F9A] =	sst s2  }
0xb: {  	[smem:$0x3F9B] =	sst s3  }
0xc: {  	[smem:$0x3F9C] =	sst s4  }
0xd: {  	[smem:$0x3F9D] =	sst s5  }
0xe: {  	[smem:$0x3F9E] =	sst s6  }
0xf: {  	[smem:$0x3F9F] =	sst s7  }
0x10: {  	[smem:$0x3FA0] =	sst s8  }
0x11: {  	[smem:$0x3FA1] =	sst s9;
	s0 =	simm.s32 @!p0 $0x0  }
0x12: {  	s1 =	sld [smem:$0x3F87];
	s0 =	simm.s32 @p0 $0x1  }
0x13: {  	[smem:$0x3FA2] =	sst s0;
	s0 =	simm.s32 @!p1 $0x0  }
0x14: {  	s2 =	sld [smem:$0x3F86];
	s0 =	simm.s32 @p1 $0x1  }
0x15: {  	[smem:$0x3FA3] =	sst s0;
	s0 =	simm.s32 @!p2 $0x0  }
0x16: {  	s3 =	sld [smem:$0x3FDB];
	s0 =	simm.s32 @p2 $0x1  }
0x17: {  	s4 =	simm.s32 $0x1BF5;
	[smem:$0x3FA5] =	sst s0  }
0x18: {  	s0 =	sld [smem:$0x3F88];
	_ =	swait.ge [sflag:s4], $0x0  }
0x19: {  	s7 =	sld [smem:$0x3F89]  }
0x1a: {  	s8 =	sadd.s32 $0xFFFFE003, lr  }
0x1b: {  	s9 =	sadd.s32 $0xFFFFFEF7, lr;
	s5 =	simm.s32 $0xFFFFFFFF;
	p2 =	slt.u32 s8, $0xFFFFF086  }
0x1c: {  	p1 =	slt.u32 s9, $0xF7A;
	s5 =	simm.s32 @!p2 $0x0  }
0x1d: {  	s5 =	simm.s32 @p1 $0x1;
	p0 =	seq.s32 s7, s2  }
0x1e: {  	s7 =	smul.u32 @!p0 $0xF7A, s2;
	p2 =	seq.s32 @!p0 s5, $0x0  }
0x1f: {  	s9 =	smul.u32 $0xF7A, s1;
	s8 =	simm.s32 @!p0 $0x1BF5;
	p2 =	por !p2, p0  }
0x20: {  	[sflag:s8] =	ssyncset.s32 @!p0 $0xFFFFF086;
	s6 =	sadd.s32 @!p0 s3, s7;
	s7 =	simm.s32 @!p0 $0x108  }
0x21: {  	s3 =	sadd.s32 s3, s9;
	s6 =	sadd.s32 @!p0 $0x88, s6;
	s7 =	simm.s32 @p2 $0x1082  }
0x22: {  	[simem:s7], [sflag:s8] =	dma.local @!p0 [hbm:s6], $0xF7A  }
0x23: {  	s9 =	sor.u32 $0xD0000000, s2;
	s6 =	simm.s32 $0x108;
	_ =	swait.ge @!p0 [sflag:s8], $0x0  }
0x24: {  	s3 =	sadd.s32 $0x88, s3;
	s6 =	simm.s32 @!p1 $0x1082;
	[sflag:s4] =	ssyncset.s32 $0xFFFFF086  }
0x25: {  	[simem:s6], [sflag:s4] =	dma.local [hbm:s3], $0xF7A  }
0x26: {  	[smem:$0x3F89] =	sst s1;
	(tag) =	ssettag s2;
	_ =	strace s9  }
0x27: {  	s1 =	sld [smem:$0x3F99]  }
0x28: {  	s2 =	sld [smem:$0x3F9A]  }
0x29: {  	s4 =	sld [smem:$0x3F9C]  }
0x2a: {  	p0 =	seq.s32 s5, $0x0;
	s5 =	sld [smem:$0x3F9D]  }
0x2b: {  	s6 =	sld [smem:$0x3F9E]  }
0x2c: {  	s7 =	sld [smem:$0x3F9F]  }
0x2d: {  	s3 =	simm.s32 $0x108;
	s8 =	sld [smem:$0x3FA0]  }
0x2e: {  	s3 =	simm.s32 @!p0 $0x1082;
	s9 =	sld [smem:$0x3FA1]  }
0x2f: {  	lr =	sadd.s32 s0, s3;
	s0 =	sld [smem:$0x3F98]  }
0x30: {  	s3 =	sld [smem:$0x3F9B]  }
0x31: {  	[smem:$0x3FA4] =	sst s10  }
0x32: {  	s10 =	sld [smem:$0x3FA2];
	_ =	sdelay $0x3  }
0x33: {  	p0 =	seq.s32 s10, $0x1;
	s10 =	sld [smem:$0x3FA4];
	_ =	sdelay $0x3  }
0x34: {  	[smem:$0x3FA4] =	sst s10  }
0x35: {  	s10 =	sld [smem:$0x3FA3];
	_ =	sdelay $0x3  }
0x36: {  	p1 =	seq.s32 s10, $0x1;
	s10 =	sld [smem:$0x3FA4];
	_ =	sdelay $0x3  }
0x37: {  	[smem:$0x3FA4] =	sst s10  }
0x38: {  	s10 =	sld [smem:$0x3FA5]  }
0x39: {  	_ = 	snop;
	(pc) =	sbr.ind lr, $3  }
0x3a: {  	_ = 	snop  }
0x3b: {  	_ = 	snop  }
0x3c: {  	p2 =	seq.s32 s10, $0x1;
	s10 =	sld [smem:$0x3FA4]  }
0x3d: {  	_ =	shalt  }
0x3e: {  	_ =	shalt  }
0x3f: {  	_ =	shalt  }
0x40: {  	_ =	shalt  }
0x41: {  	_ =	shalt  }
0x42: {  	_ =	shalt  }
0x43: {  	_ =	shalt  }
0x44: {  	_ =	shalt  }
0x45: {  	_ =	shalt  }
0x46: {  	_ =	shalt  }
0x47: {  	_ =	shalt  }
0x48: {  	_ =	shalt  }
0x49: {  	_ =	shalt  }
0x4a: {  	_ =	shalt  }
0x4b: {  	_ =	shalt  }
0x4c: {  	_ =	shalt  }
0x4d: {  	_ =	shalt  }
0x4e: {  	_ =	shalt  }
0x4f: {  	_ =	shalt  }
0x50: {  	_ =	shalt  }
0x51: {  	_ =	shalt  }
0x52: {  	_ =	shalt  }
0x53: {  	_ =	shalt  }
0x54: {  	_ =	shalt  }
0x55: {  	_ =	shalt  }
0x56: {  	_ =	shalt  }
0x57: {  	_ =	shalt  }
0x58: {  	_ =	shalt  }
0x59: {  	_ =	shalt  }
0x5a: {  	_ =	shalt  }
0x5b: {  	_ =	shalt  }
0x5c: {  	_ =	shalt  }
0x5d: {  	_ =	shalt  }
0x5e: {  	_ =	shalt  }
0x5f: {  	_ =	shalt  }
0x60: {  	_ =	shalt  }
0x61: {  	_ =	shalt  }
0x62: {  	_ =	shalt  }
0x63: {  	_ =	shalt  }
0x64: {  	_ =	shalt  }
0x65: {  	_ =	shalt  }
0x66: {  	_ =	shalt  }
0x67: {  	_ =	shalt  }
0x68: {  	_ =	shalt  }
0x69: {  	_ =	shalt  }
0x6a: {  	_ =	shalt  }
0x6b: {  	_ =	shalt  }
0x6c: {  	_ =	shalt  }
0x6d: {  	_ =	shalt  }
0x6e: {  	_ =	shalt  }
0x6f: {  	_ =	shalt  }
0x70: {  	_ =	shalt  }
0x71: {  	_ =	shalt  }
0x72: {  	_ =	shalt  }
0x73: {  	_ =	shalt  }
0x74: {  	_ =	shalt  }
0x75: {  	_ =	shalt  }
0x76: {  	_ =	shalt  }
0x77: {  	_ =	shalt  }
0x78: {  	_ =	shalt  }
0x79: {  	_ =	shalt  }
0x7a: {  	_ =	shalt  }
0x7b: {  	_ =	shalt  }
0x7c: {  	_ =	shalt  }
0x7d: {  	_ =	shalt  }
0x7e: {  	_ =	shalt  }
0x7f: {  	_ =	shalt  }
0x80: {  	_ =	shalt  }
0x81: {  	_ =	shalt  }
0x82: {  	_ =	shalt  }
0x83: {  	_ =	shalt  }
0x84: {  	_ =	shalt  }
0x85: {  	_ =	shalt  }
0x86: {  	_ =	shalt  }
0x87: {  	_ =	shalt  }
.Lfunc_end0:
.L_simem_size_0:
called_computation.2_lowered:
.L_overlay_start_0:
0x88: {  	s2 =	sld [smem:$0x3FD9]  }
0x89: {  	s3 =	sld [smem:$0x3FFE];
	_ =	sdelay $0x1  }
0x8a: {  	s1 =	srdreg.scid  }
0x8b: {  	s0 =	sand.u32 $0x1, s1  }
0x8c: {  	s16 =	sshll.u32 s0, $0xA;
	s2 =	sadd.s32 s3, s2  }
0x8d: {  	s2 =	sadd.s32 s2, s16  }
0x8e: {  	[smem:$0x3FB0] =	sst s2  }
0x8f: {  	_ = 	snop  }
0x90: {  	(tm) =	ssettm $0x1  }
0x91: {  	s17 =	sld [smem:$0x3FFB];
	_ =	sdelay $0x3  }
0x92: {  	_ =	strace s17  }
0x93: {  	s2 =	sld [smem:$0x3FFC];
	_ =	sdelay $0x3  }
0x94: {  	_ =	strace s2  }
0x95: {  	s2 =	sld [smem:$0x3FFD];
	_ =	sdelay $0x3  }
0x96: {  	_ =	strace s2  }
0x97: {  	_ =	strace $0x8FFFFFFF  }
0x98: {  	s18 =	sld [smem:$0x3FDB];
	_ =	sdelay $0x1  }
0x99: {  	s19 =	simm.s32 $_scs_section_size  }
0x9a: {  	s4 =	simm.s32 $_size__tile_overlayer_lowered;
	s5 =	simm.s32 $_tile_overlayer_lowered  }
0x9b: {  	s22 =	simm.s32 $0x1BFF;
	s21 =	sshll.u32 s5, $0x1;
	s2 =	sadd.s32 s19, s18  }
0x9c: {  	s6 =	simm.s32 $0x0;
	s20 =	sshll.u32 s4, $0x1;
	s4 =	sadd.s32 s21, s2  }
0x9d: {  	[timem:s6], [sflag:s22] =	dma.local [hbm:s4], s20  }
0x9e: {  	_ =	swait.ge [sflag:s22], s20  }
0x9f: {  	s3 =	ssub.s32 $0x0, s20;
	[sflag:s22] =	ssyncset.done $0x0  }
0xa0: {  	[sflag:s22] =	ssyncadd.s32 s3;
	_ =	sdelay $0x1  }
0xa1: {  	s23 =	simm.s32 $0x1B8B  }
0xa2: {  	_ =	swait.ge [sflag:s23], $0x1  }
0xa3: {  	[sflag:s23] =	ssyncset.done $0x0  }
0xa4: {  	s25 =	simm.s32 $0x1B8E;
	s24 =	sld [smem:$0x3FFE];
	[sflag:s23] =	ssyncadd.s32 $0xFFFFFFFF  }
0xa5: {  	s26 =	simm.s32 $execute0_lowered;
	[smem:$0x3FD2] =	sst s25  }
0xa6: {  	s4 =	sshll.u32 s26, $0x1;
	_ =	strace $0x8000004C;
	[dreg:$0x1] =	wrdreg $0xFFFFFFFF  }
0xa7: {  	s28 =	simm.s32 $_size_execute0_lowered;
	s2 =	sadd.s32 s2, s4;
	[dreg:$0x0] =	wrdreg $0x0  }
0xa8: {  	s4 =	sshll.u32 s28, $0x1;
	[dreg:$0x2] =	wrdreg s2  }
0xa9: {  	[dreg:$0x3] =	wrdreg s4  }
0xaa: {  	[dreg:$0x4] =	wrdreg $0xC0  }
0xab: {  	_ =	task [dreg:s6], $0x5FFFF  }
0xac: {  	[dreg:$0x1] =	wrdreg $0xFFFFFFFF  }
0xad: {  	[dreg:$0x0] =	wrdreg $0x60  }
0xae: {  	[dreg:$0x2] =	wrdreg s24  }
0xaf: {  	[dreg:$0x3] =	wrdreg $0x0  }
0xb0: {  	[dreg:$0x4] =	wrdreg $0x9  }
0xb1: {  	_ =	task.clear_ibuf [dreg:s6], $0x5FFFF;
	_ =	strace $0x9000004C  }
0xb2: {  	s29 =	simm.s32 $0x9;
	_ =	strace $0x8000004E  }
0xb3: {  	_ =	swait.ge [sflag:s29], $0x1  }
0xb4: {  	[sflag:s29] =	ssyncadd.s32 $0xFFFFFFFF  }
0xb5: {  	_ =	strace $0x9000004E  }
0xb6: {  	_ =	sfence  }
0xb7: {  	s30 =	sld [smem:$0x0];
	_ =	sdelay $0x2  }
0xb8: {  	s31 =	sshll.u32 s1, $0xD;
	s1 =	sshrl.u32 s1, $0x2  }
0xb9: {  	s3 =	sand.u32 $0x4000, s31;
	s1 =	sadd.s32 s1, s30  }
0xba: {  	s0 =	sor.u32 s3, s0;
	s1 =	sshll.u32 s1, $0x11  }
0xbb: {  	s0 =	sor.u32 s1, s0  }
0xbc: {  	s0 =	sadd.s32 $0x8F2B, s0  }
0xbd: {  	[sflag:s0] =	ssyncadd.remote.s32 $0x1  }
0xbe: {  	_ =	sfence.sel $0xFFFF  }
0xbf: {  	[dreg:$0x0] =	wrdreg $0xFFFFFFFF;
	(pc) =	sbr.abs _section_cstart, $3  }
0xc0: {  	[dreg:$0x1] =	wrdreg $0xFFFFFFFF  }
0xc1: {  	_ =	task.clear_ibuf [dreg:s6], $0x2FFFF;
	_ =	strace $0x9FFFFFFF  }
0xc2: {  	(tm) =	ssettm $0x7FFFFFFF  }
0xc3: {  	_ =	shalt  }
tec
execute0_lowered:
.L_overlay_start_1:
0x0: {  	(tag) =	ssettag $0x1  }
0x1: {  	s5 =	rddreg [dreg:$0x0]  }
0x2: {  	s2 =	rddreg [dreg:$0x1]  }
0x3: {  	s0 =	rddreg [dreg:$0x2]  }
0x4: {  	s1 =	stileid.u32;
	s4 =	srdreg.scid;
	s3 =	simm.s32 $0x0  }
0x5: {  	s14 =	simm.s32 $0x13C80;
	s15 =	simm.s32 $0x80;
	s16 =	simm.s32 $0x13D00  }
0x6: {  	s17 =	simm.s32 $0x1;
	s18 =	simm.s32 $0x0;
	s6 =	smul.u32 $0x13C00, s1  }
0x7: {  	s7 =	sand.u32 $0x1, s4;
	[smem:$0x7FF] =	sst s3;
	s10 =	smul.u32 $0x9E0, s1  }
0x8: {  	s4 =	sadd.s32 $0x42800, s5;
	s28 =	smul.u32 $0x4F000, s1;
	s31 =	sshll.u32 s1, $0x6  }
0x9: {  	s8 =	smul.u32 $0x13C000, s7;
	_ =	strace $0x8000004D;
	s29 =	ssub.s32 $0x2, s7  }
0xa: {  	s7 =	smul.u32 $0x4F0, s7;
	s9 =	sshrl.u32 s6, $0x3;
	s10 =	sadd.s32 s10, s5  }
0xb: {  	s30 =	sshrl.u32 s29, $0x1;
	s6 =	sadd.s32 s6, s8;
	s26 =	sadd.s32 s9, s5  }
0xc: {  	s9 =	sshrl.u32 s28, $0x2;
	s12 =	ssub.s32 s29, s30;
	s10 =	sadd.s32 s7, s10  }
0xd: {  	s6 =	sshrl.u32 s6, $0x3;
	s13 =	sadd.s32 s9, s2;
	s8 =	smax.u32 s12, $0x1  }
0xe: {  	s9 =	sadd.s32 $0x6C00, s10;
	s10 =	sadd.s32 $0x10A00, s10;
	s12 =	simm.s32 $0x2  }
0xf: {  	s11 =	sadd.s32 s6, s5;
	s5 =	sadd.s32 $0x1B000, s26;
	s6 =	sor.u32 $0x1C02, s31  }
0x10: {  	s7 =	sadd.s32 $0x90C00, s11;
	s11 =	sshrl.u32 s13, $0x3;
	s13 =	simm.s32 $0x13C00  }
.LBB2_1:
0x11: {  	[spmem:s11], [sflag:s6] =	dma.local [hbm:s5], $0x2780  }
0x12: {  	_ =	swait.ge [sflag:s12], $0x2780  }
0x13: {  	[sflag:s12] =	ssyncset.done $0x0  }
0x14: {  	[sflag:s12] =	ssyncadd.s32 $0xFFFFD880  }
0x15: {  	s19 =	sadd.s32 $0x0, s9;
	[bflag:$0x0] =	sbarrier.arrive $0xFFFF  }
0x16: {  	[tilespmem:s13], [sflag:$0x2] =	stream.linear.gather [hbm4b:s19+s3], $0x80, $0x38;
	[tilespmem:$0x17D00] =	vst v63  }
0x17: {  	_ =	swait.ge [sflag:s12], $0x80  }
0x18: {  	[sflag:s12] =	ssyncset.done $0x0  }
0x19: {  	s31 =	sadd.s32 $0x0, s10;
	[sflag:s12] =	ssyncadd.s32 $0xFFFFFF80  }
0x1a: {  	[tilespmem:s14], [sflag:$0x2] =	stream.linear.gather [hbm4b:s31+s3], $0x80, $0x38;
	[tilespmem:$0x17D00] =	vst v63  }
0x1b: {  	_ =	swait.ge [sflag:s12], $0x80  }
0x1c: {  	[sflag:s12] =	ssyncset.done $0x0  }
0x1d: {  	[sflag:s12] =	ssyncadd.s32 $0xFFFFFF80  }
0x1e: {  	[tilespmem:s16], [sflag:$0x1] =	stream.indirect.gather [hbm4b:s4+s15], $0x80, s13, s15, $0xb8;
	[tilespmem:$0x17D00] =	vst v63  }
0x1f: {  	_ =	swait.ge [sflag:s17], $0x4000  }
0x20: {  	[sflag:s17] =	ssyncset.done $0x0  }
0x21: {  	[sflag:s17] =	ssyncadd.s32 $0xFFFFC000  }
0x22: {  	[spmem:s2] =	stream.indirect.scatter.add.f32 [tilespmem:s16], [sflag:$0x2], $0x80, s14, s15, $0xb8;
	[tilespmem:$0x17D00] =	vst v63  }
0x23: {  	_ =	swait.ge [sflag:s12], $0x4000  }
0x24: {  	s20 =	simm.s32 $0x20;
	s19 =	simm.s32 $0x10;
	[sflag:s12] =	ssyncset.done $0x0  }
.LBB2_2:
0x25: {  	s21 =	sadd.s32 s19, s9  }
0x26: {  	[sflag:s12] =	ssyncadd.s32 $0xFFFFC000;
	s22 =	smov.u32 s20;
	s23 =	sadd.s32 $0x10, s20  }
0x27: {  	[tilespmem:s13], [sflag:$0x2] =	stream.linear.gather [hbm4b:s21+s3], $0x80, $0x38;
	[tilespmem:$0x17D00] =	vst v63  }
0x28: {  	p0 =	sne.s32 s20, $0x4E0;
	_ =	swait.ge [sflag:s12], $0x80  }
0x29: {  	[sflag:s12] =	ssyncset.done $0x0  }
0x2a: {  	s20 =	sadd.s32 s19, s10;
	s19 =	smov.u32 s22;
	[sflag:s12] =	ssyncadd.s32 $0xFFFFFF80  }
0x2b: {  	[tilespmem:s14], [sflag:$0x2] =	stream.linear.gather [hbm4b:s20+s3], $0x80, $0x38;
	[tilespmem:$0x17D00] =	vst v63  }
0x2c: {  	_ =	swait.ge [sflag:s12], $0x80  }
0x2d: {  	[sflag:s12] =	ssyncset.done $0x0  }
0x2e: {  	[sflag:s12] =	ssyncadd.s32 $0xFFFFFF80  }
0x2f: {  	[tilespmem:s16], [sflag:$0x1] =	stream.indirect.gather [hbm4b:s4+s15], $0x80, s13, s15, $0xb8;
	[tilespmem:$0x17D00] =	vst v63  }
0x30: {  	_ =	swait.ge [sflag:s17], $0x4000  }
.Ltmp0:
0x31: {  	[sflag:s17] =	ssyncset.done $0x0;
	(pc) =	sbr.rel @p0 .LBB2_2-.Ltmp0, $4  }
0x32: {  	[sflag:s17] =	ssyncadd.s32 $0xFFFFC000  }
0x33: {  	[spmem:s2] =	stream.indirect.scatter.add.f32 [tilespmem:s16], [sflag:$0x2], $0x80, s14, s15, $0xb8;
	[tilespmem:$0x17D00] =	vst v63  }
0x34: {  	_ =	swait.ge [sflag:s12], $0x4000  }
0x35: {  	s20 =	smov.u32 s23;
	[sflag:s12] =	ssyncset.done $0x0  }
0x36: {  	s20 =	sadd.s32 s19, s9;
	[sflag:s12] =	ssyncadd.s32 $0xFFFFC000  }
0x37: {  	[tilespmem:s13], [sflag:$0x2] =	stream.linear.gather [hbm4b:s20+s3], $0x80, $0x38;
	[tilespmem:$0x17D00] =	vst v63  }
0x38: {  	_ =	swait.ge [sflag:s12], $0x80  }
0x39: {  	[sflag:s12] =	ssyncset.done $0x0  }
0x3a: {  	s31 =	sadd.s32 s19, s10;
	[sflag:s12] =	ssyncadd.s32 $0xFFFFFF80  }
0x3b: {  	[tilespmem:s14], [sflag:$0x2] =	stream.linear.gather [hbm4b:s31+s3], $0x80, $0x38;
	[tilespmem:$0x17D00] =	vst v63  }
0x3c: {  	_ =	swait.ge [sflag:s12], $0x80  }
0x3d: {  	[sflag:s12] =	ssyncset.done $0x0  }
0x3e: {  	[sflag:s12] =	ssyncadd.s32 $0xFFFFFF80  }
0x3f: {  	[tilespmem:s16], [sflag:$0x1] =	stream.indirect.gather [hbm4b:s4+s15], $0x80, s13, s15, $0xb8;
	[tilespmem:$0x17D00] =	vst v63  }
0x40: {  	_ =	swait.ge [sflag:s17], $0x4000  }
0x41: {  	[sflag:s17] =	ssyncset.done $0x0  }
0x42: {  	[sflag:s17] =	ssyncadd.s32 $0xFFFFC000  }
0x43: {  	[spmem:s2] =	stream.indirect.scatter.add.f32 [tilespmem:s16], [sflag:$0x2], $0x80, s14, s15, $0xb8;
	[tilespmem:$0x17D00] =	vst v63  }
0x44: {  	_ =	swait.ge [sflag:s12], $0x4000  }
0x45: {  	s18 =	sadd.s32 $0x1, s18;
	[sflag:s12] =	ssyncset.done $0x0  }
0x46: {  	p0 =	sne.s32 s18, s8;
	[sflag:s12] =	ssyncadd.s32 $0xFFFFC000  }
.Ltmp1:
0x47: {  	[bflag:$0x0] =	sbarrier.arrive $0xFFFF;
	(pc) =	sbr.rel @p0 .LBB2_1-.Ltmp1, $4  }
0x48: {  	[hbm:s7], [sflag:s6] =	dma.local [spmem:s11], $0x2780  }
0x49: {  	_ =	swait.ge [sflag:s12], $0x2780  }
0x4a: {  	[sflag:s12] =	ssyncset.done $0x0  }
0x4b: {  	[sflag:s12] =	ssyncadd.s32 $0xFFFFD880  }
0x4c: {  	_ =	sfence.sel $0x180000  }
0x4d: {  	[bflag:$0x0] =	sbarrier.arrive $0xFFFF  }
0x4e: {  	p0 =	sne.s32 s1, $0x0;
	_ =	strace $0x9000004D  }
0x4f: {  	s0 =	sadd.s32 @!p0 $0x100000, s0;
	[bflag:$0x2] =	sbarrier.arrive $0xFFFF  }
0x50: {  	[sflag:s0] =	ssyncadd.tile.s32 @!p0 $0x1;
	_ =	shalt  }
.Lfunc_end2:
_tile_overlayer_lowered:
.L_overlay_start_2:
0x51: {  	(tag) =	ssettag $0x2  }
0x52: {  	s0 =	rddreg [dreg:$0x0];
	s2 =	stileid.u32  }
0x53: {  	s1 =	rddreg [dreg:$0x1];
	p0 =	sne.s32 s2, $0x0  }
0x54: {  	s3 =	rddreg [dreg:$0x2];
	[bflag:$0x3] =	sbarrier.arrive $0xFFFF;
	s2 =	simm.s32 @!p0 $0x1C02  }
0x55: {  	[timem:s3], [sflag:s2] =	dma.local @!p0 [hbm:s0], s1  }
0x56: {  	s0 =	simm.s32 @!p0 $0x2  }
0x57: {  	_ =	swait.ge @!p0 [sflag:s0], s1  }
0x58: {  	s1 =	ssub.s32 @!p0 $0x0, s1;
	[sflag:s0] =	ssyncset.done @!p0 $0x0  }
0x59: {  	[sflag:s0] =	ssyncadd.s32 @!p0 s1  }
0x5a: {  	[bflag:$0x3] =	sbarrier.arrive $0xFFFF  }
0x5b: {  	_ =	shalt  }

// kernel: kernel.19.cloned.1.call-start
scs
__scs_entry_jumppad:
0x0: {  	(pc) =	sbr.rel $0x88, $3  }
0x1: {  	(tag) =	ssettag $0x0;
	lr =	simm.s32 $0x1  }
0x2: {  	[smem:$0x3F89] =	sst lr;
	_ =	strace $0xD0000000  }
0x3: {  	_ = 	snop  }
0x4: {  	_ = 	snop  }
0x5: {  	_ = 	snop  }
0x6: {  	_ = 	snop  }
0x7: {  	_ = 	snop  }
__scs_overlays_trampoline_lowered:
0x8: {  	[smem:$0x3F98] =	sst s0  }
0x9: {  	[smem:$0x3F99] =	sst s1  }
0xa: {  	[smem:$0x3F9A] =	sst s2  }
0xb: {  	[smem:$0x3F9B] =	sst s3  }
0xc: {  	[smem:$0x3F9C] =	sst s4  }
0xd: {  	[smem:$0x3F9D] =	sst s5  }
0xe: {  	[smem:$0x3F9E] =	sst s6  }
0xf: {  	[smem:$0x3F9F] =	sst s7  }
0x10: {  	[smem:$0x3FA0] =	sst s8  }
0x11: {  	[smem:$0x3FA1] =	sst s9;
	s0 =	simm.s32 @!p0 $0x0  }
0x12: {  	s1 =	sld [smem:$0x3F87];
	s0 =	simm.s32 @p0 $0x1  }
0x13: {  	[smem:$0x3FA2] =	sst s0;
	s0 =	simm.s32 @!p1 $0x0  }
0x14: {  	s2 =	sld [smem:$0x3F86];
	s0 =	simm.s32 @p1 $0x1  }
0x15: {  	[smem:$0x3FA3] =	sst s0;
	s0 =	simm.s32 @!p2 $0x0  }
0x16: {  	s3 =	sld [smem:$0x3FDB];
	s0 =	simm.s32 @p2 $0x1  }
0x17: {  	s4 =	simm.s32 $0x1BF5;
	[smem:$0x3FA5] =	sst s0  }
0x18: {  	s0 =	sld [smem:$0x3F88];
	_ =	swait.ge [sflag:s4], $0x0  }
0x19: {  	s7 =	sld [smem:$0x3F89]  }
0x1a: {  	s8 =	sadd.s32 $0xFFFFE003, lr  }
0x1b: {  	s9 =	sadd.s32 $0xFFFFFEF7, lr;
	s5 =	simm.s32 $0xFFFFFFFF;
	p2 =	slt.u32 s8, $0xFFFFF086  }
0x1c: {  	p1 =	slt.u32 s9, $0xF7A;
	s5 =	simm.s32 @!p2 $0x0  }
0x1d: {  	s5 =	simm.s32 @p1 $0x1;
	p0 =	seq.s32 s7, s2  }
0x1e: {  	s7 =	smul.u32 @!p0 $0xF7A, s2;
	p2 =	seq.s32 @!p0 s5, $0x0  }
0x1f: {  	s9 =	smul.u32 $0xF7A, s1;
	s8 =	simm.s32 @!p0 $0x1BF5;
	p2 =	por !p2, p0  }
0x20: {  	[sflag:s8] =	ssyncset.s32 @!p0 $0xFFFFF086;
	s6 =	sadd.s32 @!p0 s3, s7;
	s7 =	simm.s32 @!p0 $0x108  }
0x21: {  	s3 =	sadd.s32 s3, s9;
	s6 =	sadd.s32 @!p0 $0x88, s6;
	s7 =	simm.s32 @p2 $0x1082  }
0x22: {  	[simem:s7], [sflag:s8] =	dma.local @!p0 [hbm:s6], $0xF7A  }
0x23: {  	s9 =	sor.u32 $0xD0000000, s2;
	s6 =	simm.s32 $0x108;
	_ =	swait.ge @!p0 [sflag:s8], $0x0  }
0x24: {  	s3 =	sadd.s32 $0x88, s3;
	s6 =	simm.s32 @!p1 $0x1082;
	[sflag:s4] =	ssyncset.s32 $0xFFFFF086  }
0x25: {  	[simem:s6], [sflag:s4] =	dma.local [hbm:s3], $0xF7A  }
0x26: {  	[smem:$0x3F89] =	sst s1;
	(tag) =	ssettag s2;
	_ =	strace s9  }
0x27: {  	s1 =	sld [smem:$0x3F99]  }
0x28: {  	s2 =	sld [smem:$0x3F9A]  }
0x29: {  	s4 =	sld [smem:$0x3F9C]  }
0x2a: {  	p0 =	seq.s32 s5, $0x0;
	s5 =	sld [smem:$0x3F9D]  }
0x2b: {  	s6 =	sld [smem:$0x3F9E]  }
0x2c: {  	s7 =	sld [smem:$0x3F9F]  }
0x2d: {  	s3 =	simm.s32 $0x108;
	s8 =	sld [smem:$0x3FA0]  }
0x2e: {  	s3 =	simm.s32 @!p0 $0x1082;
	s9 =	sld [smem:$0x3FA1]  }
0x2f: {  	lr =	sadd.s32 s0, s3;
	s0 =	sld [smem:$0x3F98]  }
0x30: {  	s3 =	sld [smem:$0x3F9B]  }
0x31: {  	[smem:$0x3FA4] =	sst s10  }
0x32: {  	s10 =	sld [smem:$0x3FA2];
	_ =	sdelay $0x3  }
0x33: {  	p0 =	seq.s32 s10, $0x1;
	s10 =	sld [smem:$0x3FA4];
	_ =	sdelay $0x3  }
0x34: {  	[smem:$0x3FA4] =	sst s10  }
0x35: {  	s10 =	sld [smem:$0x3FA3];
	_ =	sdelay $0x3  }
0x36: {  	p1 =	seq.s32 s10, $0x1;
	s10 =	sld [smem:$0x3FA4];
	_ =	sdelay $0x3  }
0x37: {  	[smem:$0x3FA4] =	sst s10  }
0x38: {  	s10 =	sld [smem:$0x3FA5]  }
0x39: {  	_ = 	snop;
	(pc) =	sbr.ind lr, $3  }
0x3a: {  	_ = 	snop  }
0x3b: {  	_ = 	snop  }
0x3c: {  	p2 =	seq.s32 s10, $0x1;
	s10 =	sld [smem:$0x3FA4]  }
0x3d: {  	_ =	shalt  }
0x3e: {  	_ =	shalt  }
0x3f: {  	_ =	shalt  }
0x40: {  	_ =	shalt  }
0x41: {  	_ =	shalt  }
0x42: {  	_ =	shalt  }
0x43: {  	_ =	shalt  }
0x44: {  	_ =	shalt  }
0x45: {  	_ =	shalt  }
0x46: {  	_ =	shalt  }
0x47: {  	_ =	shalt  }
0x48: {  	_ =	shalt  }
0x49: {  	_ =	shalt  }
0x4a: {  	_ =	shalt  }
0x4b: {  	_ =	shalt  }
0x4c: {  	_ =	shalt  }
0x4d: {  	_ =	shalt  }
0x4e: {  	_ =	shalt  }
0x4f: {  	_ =	shalt  }
0x50: {  	_ =	shalt  }
0x51: {  	_ =	shalt  }
0x52: {  	_ =	shalt  }
0x53: {  	_ =	shalt  }
0x54: {  	_ =	shalt  }
0x55: {  	_ =	shalt  }
0x56: {  	_ =	shalt  }
0x57: {  	_ =	shalt  }
0x58: {  	_ =	shalt  }
0x59: {  	_ =	shalt  }
0x5a: {  	_ =	shalt  }
0x5b: {  	_ =	shalt  }
0x5c: {  	_ =	shalt  }
0x5d: {  	_ =	shalt  }
0x5e: {  	_ =	shalt  }
0x5f: {  	_ =	shalt  }
0x60: {  	_ =	shalt  }
0x61: {  	_ =	shalt  }
0x62: {  	_ =	shalt  }
0x63: {  	_ =	shalt  }
0x64: {  	_ =	shalt  }
0x65: {  	_ =	shalt  }
0x66: {  	_ =	shalt  }
0x67: {  	_ =	shalt  }
0x68: {  	_ =	shalt  }
0x69: {  	_ =	shalt  }
0x6a: {  	_ =	shalt  }
0x6b: {  	_ =	shalt  }
0x6c: {  	_ =	shalt  }
0x6d: {  	_ =	shalt  }
0x6e: {  	_ =	shalt  }
0x6f: {  	_ =	shalt  }
0x70: {  	_ =	shalt  }
0x71: {  	_ =	shalt  }
0x72: {  	_ =	shalt  }
0x73: {  	_ =	shalt  }
0x74: {  	_ =	shalt  }
0x75: {  	_ =	shalt  }
0x76: {  	_ =	shalt  }
0x77: {  	_ =	shalt  }
0x78: {  	_ =	shalt  }
0x79: {  	_ =	shalt  }
0x7a: {  	_ =	shalt  }
0x7b: {  	_ =	shalt  }
0x7c: {  	_ =	shalt  }
0x7d: {  	_ =	shalt  }
0x7e: {  	_ =	shalt  }
0x7f: {  	_ =	shalt  }
0x80: {  	_ =	shalt  }
0x81: {  	_ =	shalt  }
0x82: {  	_ =	shalt  }
0x83: {  	_ =	shalt  }
0x84: {  	_ =	shalt  }
0x85: {  	_ =	shalt  }
0x86: {  	_ =	shalt  }
0x87: {  	_ =	shalt  }
.Lfunc_end0:
.L_simem_size_0:
called_computation.3_lowered:
.L_overlay_start_0:
0x88: {  	s2 =	sld [smem:$0x3FD9]  }
0x89: {  	s3 =	sld [smem:$0x3FFE];
	_ =	sdelay $0x1  }
0x8a: {  	s1 =	srdreg.scid  }
0x8b: {  	s0 =	sand.u32 $0x1, s1  }
0x8c: {  	s16 =	sshll.u32 s0, $0xA;
	s2 =	sadd.s32 s3, s2  }
0x8d: {  	s2 =	sadd.s32 s2, s16  }
0x8e: {  	[smem:$0x3FB0] =	sst s2  }
0x8f: {  	_ = 	snop  }
0x90: {  	(tm) =	ssettm $0x1  }
0x91: {  	s17 =	sld [smem:$0x3FFB];
	_ =	sdelay $0x3  }
0x92: {  	_ =	strace s17  }
0x93: {  	s2 =	sld [smem:$0x3FFC];
	_ =	sdelay $0x3  }
0x94: {  	_ =	strace s2  }
0x95: {  	s2 =	sld [smem:$0x3FFD];
	_ =	sdelay $0x3  }
0x96: {  	_ =	strace s2  }
0x97: {  	_ =	strace $0x8FFFFFFF  }
0x98: {  	s18 =	sld [smem:$0x3FDB];
	_ =	sdelay $0x1  }
0x99: {  	s19 =	simm.s32 $_scs_section_size  }
0x9a: {  	s4 =	simm.s32 $_size__tile_overlayer_lowered;
	s5 =	simm.s32 $_tile_overlayer_lowered  }
0x9b: {  	s22 =	simm.s32 $0x1BFF;
	s21 =	sshll.u32 s5, $0x1;
	s2 =	sadd.s32 s19, s18  }
0x9c: {  	s6 =	simm.s32 $0x0;
	s20 =	sshll.u32 s4, $0x1;
	s4 =	sadd.s32 s21, s2  }
0x9d: {  	[timem:s6], [sflag:s22] =	dma.local [hbm:s4], s20  }
0x9e: {  	_ =	swait.ge [sflag:s22], s20  }
0x9f: {  	s3 =	ssub.s32 $0x0, s20;
	[sflag:s22] =	ssyncset.done $0x0  }
0xa0: {  	[sflag:s22] =	ssyncadd.s32 s3;
	_ =	sdelay $0x1  }
0xa1: {  	s23 =	simm.s32 $0x1B8B  }
0xa2: {  	_ =	swait.ge [sflag:s23], $0x1  }
0xa3: {  	[sflag:s23] =	ssyncset.done $0x0  }
0xa4: {  	s25 =	simm.s32 $0x1B8E;
	s24 =	sld [smem:$0x3FFE];
	[sflag:s23] =	ssyncadd.s32 $0xFFFFFFFF  }
0xa5: {  	s26 =	simm.s32 $execute0_lowered;
	[smem:$0x3FD2] =	sst s25  }
0xa6: {  	s4 =	sshll.u32 s26, $0x1;
	_ =	strace $0x8000004F;
	[dreg:$0x1] =	wrdreg $0xFFFFFFFF  }
0xa7: {  	s28 =	simm.s32 $_size_execute0_lowered;
	s2 =	sadd.s32 s2, s4;
	[dreg:$0x0] =	wrdreg $0x0  }
0xa8: {  	s4 =	sshll.u32 s28, $0x1;
	[dreg:$0x2] =	wrdreg s2  }
0xa9: {  	[dreg:$0x3] =	wrdreg s4  }
0xaa: {  	[dreg:$0x4] =	wrdreg $0xC0  }
0xab: {  	_ =	task [dreg:s6], $0x5FFFF  }
0xac: {  	[dreg:$0x1] =	wrdreg $0xFFFFFFFF  }
0xad: {  	[dreg:$0x0] =	wrdreg $0x60  }
0xae: {  	[dreg:$0x2] =	wrdreg s24  }
0xaf: {  	[dreg:$0x3] =	wrdreg $0x0  }
0xb0: {  	[dreg:$0x4] =	wrdreg $0x9  }
0xb1: {  	_ =	task.clear_ibuf [dreg:s6], $0x5FFFF;
	_ =	strace $0x9000004F  }
0xb2: {  	s29 =	simm.s32 $0x9;
	_ =	strace $0x80000051  }
0xb3: {  	_ =	swait.ge [sflag:s29], $0x1  }
0xb4: {  	[sflag:s29] =	ssyncadd.s32 $0xFFFFFFFF  }
0xb5: {  	_ =	strace $0x90000051  }
0xb6: {  	_ =	sfence  }
0xb7: {  	s30 =	sld [smem:$0x0];
	_ =	sdelay $0x2  }
0xb8: {  	s31 =	sshll.u32 s1, $0xD;
	s1 =	sshrl.u32 s1, $0x2  }
0xb9: {  	s3 =	sand.u32 $0x4000, s31;
	s1 =	sadd.s32 s1, s30  }
0xba: {  	s0 =	sor.u32 s3, s0;
	s1 =	sshll.u32 s1, $0x11  }
0xbb: {  	s0 =	sor.u32 s1, s0  }
0xbc: {  	s0 =	sadd.s32 $0x8F2B, s0  }
0xbd: {  	[sflag:s0] =	ssyncadd.remote.s32 $0x1  }
0xbe: {  	_ =	sfence.sel $0xFFFF  }
0xbf: {  	[dreg:$0x0] =	wrdreg $0xFFFFFFFF;
	(pc) =	sbr.abs _section_cstart, $3  }
0xc0: {  	[dreg:$0x1] =	wrdreg $0xFFFFFFFF  }
0xc1: {  	_ =	task.clear_ibuf [dreg:s6], $0x2FFFF;
	_ =	strace $0x9FFFFFFF  }
0xc2: {  	(tm) =	ssettm $0x7FFFFFFF  }
0xc3: {  	_ =	shalt  }
tec
execute0_lowered:
.L_overlay_start_1:
0x0: {  	(tag) =	ssettag $0x1  }
0x1: {  	s5 =	rddreg [dreg:$0x0]  }
0x2: {  	s2 =	rddreg [dreg:$0x1]  }
0x3: {  	s0 =	rddreg [dreg:$0x2]  }
0x4: {  	s1 =	stileid.u32;
	s4 =	srdreg.scid;
	s3 =	simm.s32 $0x0  }
0x5: {  	s14 =	simm.s32 $0x13C80;
	s15 =	simm.s32 $0x80;
	s16 =	simm.s32 $0x13D00  }
0x6: {  	s17 =	simm.s32 $0x1;
	s18 =	simm.s32 $0x0;
	s6 =	smul.u32 $0x13C00, s1  }
0x7: {  	s7 =	sand.u32 $0x1, s4;
	[smem:$0x7FF] =	sst s3;
	s10 =	smul.u32 $0x9E0, s1  }
0x8: {  	s4 =	sadd.s32 $0x42800, s5;
	s28 =	smul.u32 $0x4F000, s1;
	s31 =	sshll.u32 s1, $0x6  }
0x9: {  	s8 =	smul.u32 $0x13C000, s7;
	_ =	strace $0x80000050;
	s29 =	ssub.s32 $0x2, s7  }
0xa: {  	s7 =	smul.u32 $0x4F0, s7;
	s9 =	sshrl.u32 s6, $0x3;
	s10 =	sadd.s32 s10, s5  }
0xb: {  	s30 =	sshrl.u32 s29, $0x1;
	s6 =	sadd.s32 s6, s8;
	s26 =	sadd.s32 s9, s5  }
0xc: {  	s9 =	sshrl.u32 s28, $0x2;
	s12 =	ssub.s32 s29, s30;
	s10 =	sadd.s32 s7, s10  }
0xd: {  	s6 =	sshrl.u32 s6, $0x3;
	s13 =	sadd.s32 s9, s2;
	s8 =	smax.u32 s12, $0x1  }
0xe: {  	s9 =	sadd.s32 $0x6C00, s10;
	s10 =	sadd.s32 $0x10A00, s10;
	s12 =	simm.s32 $0x2  }
0xf: {  	s11 =	sadd.s32 s6, s5;
	s5 =	sadd.s32 $0x1B000, s26;
	s6 =	sor.u32 $0x1C02, s31  }
0x10: {  	s7 =	sadd.s32 $0x90C00, s11;
	s11 =	sshrl.u32 s13, $0x3;
	s13 =	simm.s32 $0x13C00  }
.LBB2_1:
0x11: {  	[spmem:s11], [sflag:s6] =	dma.local [hbm:s5], $0x2780  }
0x12: {  	_ =	swait.ge [sflag:s12], $0x2780  }
0x13: {  	[sflag:s12] =	ssyncset.done $0x0  }
0x14: {  	[sflag:s12] =	ssyncadd.s32 $0xFFFFD880  }
0x15: {  	s19 =	sadd.s32 $0x0, s9;
	[bflag:$0x0] =	sbarrier.arrive $0xFFFF  }
0x16: {  	[tilespmem:s13], [sflag:$0x2] =	stream.linear.gather [hbm4b:s19+s3], $0x80, $0x38;
	[tilespmem:$0x17D00] =	vst v63  }
0x17: {  	_ =	swait.ge [sflag:s12], $0x80  }
0x18: {  	[sflag:s12] =	ssyncset.done $0x0  }
0x19: {  	s31 =	sadd.s32 $0x0, s10;
	[sflag:s12] =	ssyncadd.s32 $0xFFFFFF80  }
0x1a: {  	[tilespmem:s14], [sflag:$0x2] =	stream.linear.gather [hbm4b:s31+s3], $0x80, $0x38;
	[tilespmem:$0x17D00] =	vst v63  }
0x1b: {  	_ =	swait.ge [sflag:s12], $0x80  }
0x1c: {  	[sflag:s12] =	ssyncset.done $0x0  }
0x1d: {  	[sflag:s12] =	ssyncadd.s32 $0xFFFFFF80  }
0x1e: {  	[tilespmem:s16], [sflag:$0x1] =	stream.indirect.gather [hbm4b:s4+s15], $0x80, s13, s15, $0xb8;
	[tilespmem:$0x17D00] =	vst v63  }
0x1f: {  	_ =	swait.ge [sflag:s17], $0x4000  }
0x20: {  	[sflag:s17] =	ssyncset.done $0x0  }
0x21: {  	[sflag:s17] =	ssyncadd.s32 $0xFFFFC000  }
0x22: {  	[spmem:s2] =	stream.indirect.scatter.add.f32 [tilespmem:s16], [sflag:$0x2], $0x80, s14, s15, $0xb8;
	[tilespmem:$0x17D00] =	vst v63  }
0x23: {  	_ =	swait.ge [sflag:s12], $0x4000  }
0x24: {  	s20 =	simm.s32 $0x20;
	s19 =	simm.s32 $0x10;
	[sflag:s12] =	ssyncset.done $0x0  }
.LBB2_2:
0x25: {  	s21 =	sadd.s32 s19, s9  }
0x26: {  	[sflag:s12] =	ssyncadd.s32 $0xFFFFC000;
	s22 =	smov.u32 s20;
	s23 =	sadd.s32 $0x10, s20  }
0x27: {  	[tilespmem:s13], [sflag:$0x2] =	stream.linear.gather [hbm4b:s21+s3], $0x80, $0x38;
	[tilespmem:$0x17D00] =	vst v63  }
0x28: {  	p0 =	sne.s32 s20, $0x4E0;
	_ =	swait.ge [sflag:s12], $0x80  }
0x29: {  	[sflag:s12] =	ssyncset.done $0x0  }
0x2a: {  	s20 =	sadd.s32 s19, s10;
	s19 =	smov.u32 s22;
	[sflag:s12] =	ssyncadd.s32 $0xFFFFFF80  }
0x2b: {  	[tilespmem:s14], [sflag:$0x2] =	stream.linear.gather [hbm4b:s20+s3], $0x80, $0x38;
	[tilespmem:$0x17D00] =	vst v63  }
0x2c: {  	_ =	swait.ge [sflag:s12], $0x80  }
0x2d: {  	[sflag:s12] =	ssyncset.done $0x0  }
0x2e: {  	[sflag:s12] =	ssyncadd.s32 $0xFFFFFF80  }
0x2f: {  	[tilespmem:s16], [sflag:$0x1] =	stream.indirect.gather [hbm4b:s4+s15], $0x80, s13, s15, $0xb8;
	[tilespmem:$0x17D00] =	vst v63  }
0x30: {  	_ =	swait.ge [sflag:s17], $0x4000  }
.Ltmp0:
0x31: {  	[sflag:s17] =	ssyncset.done $0x0;
	(pc) =	sbr.rel @p0 .LBB2_2-.Ltmp0, $4  }
0x32: {  	[sflag:s17] =	ssyncadd.s32 $0xFFFFC000  }
0x33: {  	[spmem:s2] =	stream.indirect.scatter.add.f32 [tilespmem:s16], [sflag:$0x2], $0x80, s14, s15, $0xb8;
	[tilespmem:$0x17D00] =	vst v63  }
0x34: {  	_ =	swait.ge [sflag:s12], $0x4000  }
0x35: {  	s20 =	smov.u32 s23;
	[sflag:s12] =	ssyncset.done $0x0  }
0x36: {  	s20 =	sadd.s32 s19, s9;
	[sflag:s12] =	ssyncadd.s32 $0xFFFFC000  }
0x37: {  	[tilespmem:s13], [sflag:$0x2] =	stream.linear.gather [hbm4b:s20+s3], $0x80, $0x38;
	[tilespmem:$0x17D00] =	vst v63  }
0x38: {  	_ =	swait.ge [sflag:s12], $0x80  }
0x39: {  	[sflag:s12] =	ssyncset.done $0x0  }
0x3a: {  	s31 =	sadd.s32 s19, s10;
	[sflag:s12] =	ssyncadd.s32 $0xFFFFFF80  }
0x3b: {  	[tilespmem:s14], [sflag:$0x2] =	stream.linear.gather [hbm4b:s31+s3], $0x80, $0x38;
	[tilespmem:$0x17D00] =	vst v63  }
0x3c: {  	_ =	swait.ge [sflag:s12], $0x80  }
0x3d: {  	[sflag:s12] =	ssyncset.done $0x0  }
0x3e: {  	[sflag:s12] =	ssyncadd.s32 $0xFFFFFF80  }
0x3f: {  	[tilespmem:s16], [sflag:$0x1] =	stream.indirect.gather [hbm4b:s4+s15], $0x80, s13, s15, $0xb8;
	[tilespmem:$0x17D00] =	vst v63  }
0x40: {  	_ =	swait.ge [sflag:s17], $0x4000  }
0x41: {  	[sflag:s17] =	ssyncset.done $0x0  }
0x42: {  	[sflag:s17] =	ssyncadd.s32 $0xFFFFC000  }
0x43: {  	[spmem:s2] =	stream.indirect.scatter.add.f32 [tilespmem:s16], [sflag:$0x2], $0x80, s14, s15, $0xb8;
	[tilespmem:$0x17D00] =	vst v63  }
0x44: {  	_ =	swait.ge [sflag:s12], $0x4000  }
0x45: {  	s18 =	sadd.s32 $0x1, s18;
	[sflag:s12] =	ssyncset.done $0x0  }
0x46: {  	p0 =	sne.s32 s18, s8;
	[sflag:s12] =	ssyncadd.s32 $0xFFFFC000  }
.Ltmp1:
0x47: {  	[bflag:$0x0] =	sbarrier.arrive $0xFFFF;
	(pc) =	sbr.rel @p0 .LBB2_1-.Ltmp1, $4  }
0x48: {  	[hbm:s7], [sflag:s6] =	dma.local [spmem:s11], $0x2780  }
0x49: {  	_ =	swait.ge [sflag:s12], $0x2780  }
0x4a: {  	[sflag:s12] =	ssyncset.done $0x0  }
0x4b: {  	[sflag:s12] =	ssyncadd.s32 $0xFFFFD880  }
0x4c: {  	_ =	sfence.sel $0x180000  }
0x4d: {  	[bflag:$0x0] =	sbarrier.arrive $0xFFFF  }
0x4e: {  	p0 =	sne.s32 s1, $0x0;
	_ =	strace $0x90000050  }
0x4f: {  	s0 =	sadd.s32 @!p0 $0x100000, s0;
	[bflag:$0x2] =	sbarrier.arrive $0xFFFF  }
0x50: {  	[sflag:s0] =	ssyncadd.tile.s32 @!p0 $0x1;
	_ =	shalt  }
.Lfunc_end2:
_tile_overlayer_lowered:
.L_overlay_start_2:
0x51: {  	(tag) =	ssettag $0x2  }
0x52: {  	s0 =	rddreg [dreg:$0x0];
	s2 =	stileid.u32  }
0x53: {  	s1 =	rddreg [dreg:$0x1];
	p0 =	sne.s32 s2, $0x0  }
0x54: {  	s3 =	rddreg [dreg:$0x2];
	[bflag:$0x3] =	sbarrier.arrive $0xFFFF;
	s2 =	simm.s32 @!p0 $0x1C02  }
0x55: {  	[timem:s3], [sflag:s2] =	dma.local @!p0 [hbm:s0], s1  }
0x56: {  	s0 =	simm.s32 @!p0 $0x2  }
0x57: {  	_ =	swait.ge @!p0 [sflag:s0], s1  }
0x58: {  	s1 =	ssub.s32 @!p0 $0x0, s1;
	[sflag:s0] =	ssyncset.done @!p0 $0x0  }
0x59: {  	[sflag:s0] =	ssyncadd.s32 @!p0 s1  }
0x5a: {  	[bflag:$0x3] =	sbarrier.arrive $0xFFFF  }
0x5b: {  	_ =	shalt  }

</sc_bundles>
